<compile_context>
chip_gen: v7x
topology: tpu7x:2x2x1
jax: 0.10.2.dev20260603
libtpu: 0.0.44.dev20260713+nightly
codegen_flags: <defaults>
</compile_context>

<pallas_src>
import functools

import jax
import jax.numpy as jnp
from jax import lax
from jax.experimental import pallas as pl
from jax.experimental.pallas import tpu as pltpu
from jax.experimental.pallas import tpu_sc as plsc

N = 10000
E = 320000
DF = 128

NCORE = 2
NSUB = 16
NT = NCORE * NSUB
CPT = 5
NCS = NT * CPT
CE = 2048
NCK = 160
E_PAD = NCK * CE
NG = CE // 16
GU = 4
NPAD = 10240
NZ16 = NPAD // 16

BLK = 1024


def _sc_body(cols_hbm, idxi_hbm, idxj_hbm, out_hbm,
             cols_v, iis, jjs, acc_v, isems, jsems):
    c = lax.axis_index("c")
    s = lax.axis_index("s")
    w = c * NSUB + s
    myrows = pl.ds(w * CPT, CPT)

    pltpu.sync_copy(cols_hbm.at[myrows], cols_v)

    def zbody(k, carry):
        z = jnp.zeros((16,), jnp.float32)
        for cl in range(CPT):
            acc_v[cl, pl.ds(k * 16, 16)] = z
        return carry

    lax.fori_loop(0, NZ16, zbody, 0)

    def issue(ck, b):
        sl = pl.ds(ck * CE, CE)
        pltpu.async_copy(idxi_hbm.at[sl], iis[b], isems[b])
        pltpu.async_copy(idxj_hbm.at[sl], jjs[b], jsems[b])

    def wait(b):
        sl = pl.ds(0, CE)
        pltpu.make_async_copy(idxi_hbm.at[sl], iis[b], isems[b]).wait()
        pltpu.make_async_copy(idxj_hbm.at[sl], jjs[b], jsems[b]).wait()

    for b in range(2):
        issue(b, b)

    def chunk_body(p, carry):
        for b in range(2):
            ck = p * 2 + b
            wait(b)

            def gbody(g, carry2):
                iiu, jju, vals = [], [], []
                for u in range(GU):
                    e0 = (g * GU + u) * 16
                    iiu.append(iis[b][pl.ds(e0, 16)])
                    jju.append(jjs[b][pl.ds(e0, 16)])
                for u in range(GU):
                    for cl in range(CPT):
                        clv = jnp.full((16,), cl, jnp.int32)
                        vals.append(plsc.load_gather(cols_v, [clv, jju[u]]))
                for u in range(GU):
                    for cl in range(CPT):
                        clv = jnp.full((16,), cl, jnp.int32)
                        plsc.addupdate_scatter(acc_v, [clv, iiu[u]],
                                               vals[u * CPT + cl])
                return carry2

            plsc.parallel_loop(0, NG // GU, 1, unroll=1)(
                lambda g: gbody(g, 0))

            @pl.when(ck + 2 < NCK)
            def _():
                issue(ck + 2, b)

        return carry

    lax.fori_loop(0, NCK // 2, chunk_body, 0)

    pltpu.sync_copy(acc_v, out_hbm.at[myrows])


@functools.cache
def _sc_segsum():
    return pl.kernel(
        _sc_body,
        out_type=jax.ShapeDtypeStruct((NCS, NPAD), jnp.float32),
        mesh=plsc.VectorSubcoreMesh(core_axis_name="c", subcore_axis_name="s"),
        compiler_params=pltpu.CompilerParams(use_tc_tiling_on_sc=False, needs_layout_passes=False),
        scratch_types=[
            pltpu.VMEM((CPT, N), jnp.float32),
            [pltpu.VMEM((CE,), jnp.int32) for _ in range(2)],
            [pltpu.VMEM((CE,), jnp.int32) for _ in range(2)],
            pltpu.VMEM((CPT, NPAD), jnp.float32),
            [pltpu.SemaphoreType.DMA for _ in range(2)],
            [pltpu.SemaphoreType.DMA for _ in range(2)],
        ],
    )


def _tc_dense_body(cols_ref, s_ref,
                   w1m_ref, b1m_ref, w1a_ref, b1a_ref,
                   wxi_ref, wdx_ref, wdp_ref, wctx_ref, b2m_ref,
                   w2ax_ref, w2aa_ref, b2a_ref, o_ref):
    f32 = jnp.float32

    def mm(a_ref, bT):
        return jnp.dot(a_ref[...], bT, preferred_element_type=f32)

    cols = cols_ref[...]
    xT = cols[0:DF]
    posT = cols[DF:DF + 3]
    st = s_ref[...]
    sxT = st[0:DF]
    spT = st[DF:DF + 3]
    cntT = st[DF + 3:DF + 4]
    invT = 1.0 / jnp.maximum(cntT, 1.0)
    nzT = cntT > 0.0
    mean_xT = sxT * invT
    dposT = spT * invT - posT
    aggr1T = jnp.where(nzT, mm(w1m_ref, dposT) + b1m_ref[...], 0.0)
    ctxT = mm(w1a_ref, aggr1T) + b1a_ref[...]
    aggr2T = jnp.where(
        nzT,
        mm(wxi_ref, xT) + mm(wdx_ref, mean_xT) + mm(wdp_ref, dposT)
        + mm(wctx_ref, ctxT) + b2m_ref[...],
        0.0)
    outT = mm(w2ax_ref, xT) + mm(w2aa_ref, aggr2T) + b2a_ref[...]
    o_ref[...] = outT.T


def _tc_dense(cols, sums, *weights, interpret=False):
    def _full(a):
        return pl.BlockSpec(a.shape, lambda i: (0,) * a.ndim)

    return pl.pallas_call(
        _tc_dense_body,
        grid=(pl.cdiv(N, BLK),),
        in_specs=[
            pl.BlockSpec((NCS, BLK), lambda i: (0, i)),
            pl.BlockSpec((NCS, BLK), lambda i: (0, i)),
        ] + [_full(a) for a in weights],
        out_specs=pl.BlockSpec((BLK, DF), lambda i: (i, 0)),
        out_shape=jax.ShapeDtypeStruct((N, DF), jnp.float32),
        interpret=interpret,
    )(cols, sums, *weights)


def kernel(x, edge_index, pos, W1m, b1m, W1a, b1a, W2m, b2m, W2a, b2a):
    idx_i = edge_index[0].astype(jnp.int32)
    idx_j = edge_index[1].astype(jnp.int32)
    cols = jnp.concatenate(
        [x.T, pos.T, jnp.ones((1, N), jnp.float32),
         jnp.zeros((NCS - DF - 4, N), jnp.float32)], axis=0)
    padn = E_PAD - E
    idx_i = jnp.concatenate([idx_i, jnp.full((padn,), N, jnp.int32)])
    idx_j = jnp.concatenate([idx_j, jnp.zeros((padn,), jnp.int32)])

    sums = _sc_segsum()(cols, idx_i, idx_j)

    wxiT = (W2m[0:DF] - W2m[DF:2 * DF]).T
    return _tc_dense(
        cols, sums,
        W1m.T, b1m.reshape(-1, 1), W1a.T, b1a.reshape(-1, 1),
        wxiT, W2m[DF:2 * DF].T, W2m[2 * DF:2 * DF + 3].T,
        W2m[2 * DF + 3:].T, b2m.reshape(-1, 1),
        W2a[:DF].T, W2a[DF:].T, b2a.reshape(-1, 1))

# --- scband reference (transcript-rebuilt; emitter-appended) ---
"""Pipeline reference for scband-model3-16484084483095 (READ-ONLY COPY).

The authoritative reference and input builder live on the scoring server;
editing this copy changes nothing except your own understanding.
"""

import jax, jax.numpy as jnp
import numpy as np

N_NODES = 10000
N_EDGES = 320000
D_FEAT = 128
D_POS = 3
D_CTX = 32


def _linear_params(key, fan_in, fan_out):
    k1, k2 = jax.random.split(key)
    bound = 1.0 / np.sqrt(fan_in)
    W = jax.random.uniform(k1, (fan_in, fan_out), minval=-bound, maxval=bound, dtype=jnp.float32)
    b = jax.random.uniform(k2, (fan_out,), minval=-bound, maxval=bound, dtype=jnp.float32)
    return W, b


def setup_inputs(seed: int = 0) -> dict:
    key = jax.random.key(seed)
    ks = jax.random.split(key, 8)
    x = jax.random.normal(ks[0], (N_NODES, D_FEAT), dtype=jnp.float32)
    edge_index = jax.random.randint(ks[1], (2, N_EDGES), 0, N_NODES, dtype=jnp.int64 if jax.config.jax_enable_x64 else jnp.int32)
    pos = jax.random.normal(ks[2], (N_NODES, D_POS), dtype=jnp.float32)
    W1m, b1m = _linear_params(ks[3], D_POS, D_CTX)
    W1a, b1a = _linear_params(ks[4], D_CTX, D_CTX)
    W2m, b2m = _linear_params(ks[5], 2 * D_FEAT + D_POS + D_CTX, D_FEAT)
    W2a, b2a = _linear_params(ks[6], 2 * D_FEAT, D_FEAT)
    return {"x": x, "edge_index": edge_index, "pos": pos,
            "W1m": W1m, "b1m": b1m, "W1a": W1a, "b1a": b1a,
            "W2m": W2m, "b2m": b2m, "W2a": W2a, "b2a": b2a}


def _segment_mean(vals, idx, num_segments):
    s = jax.ops.segment_sum(vals, idx, num_segments=num_segments)
    cnt = jax.ops.segment_sum(jnp.ones((vals.shape[0],), dtype=vals.dtype), idx, num_segments=num_segments)
    cnt = jnp.clip(cnt, 1.0, None)
    return s / cnt[:, None]


def reference(x, edge_index, pos, W1m, b1m, W1a, b1a, W2m, b2m, W2a, b2a):
    # flow='target_to_source': _i = edge_index[0], _j = edge_index[1];
    # aggregation is over index i = edge_index[0]
    idx_i = edge_index[0]
    idx_j = edge_index[1]
    pos_i = pos[idx_i]
    pos_j = pos[idx_j]
    # L1: EdgeConvGeomLayer (aggr='mean')
    m1 = (pos_j - pos_i) @ W1m + b1m
    aggr1 = _segment_mean(m1, idx_i, N_NODES)
    ctx = aggr1 @ W1a + b1a
    # L2: EdgeConvWithContext, neighbor_loc='position' (aggr='mean')
    x_i = x[idx_i]
    x_j = x[idx_j]
    ctx_i = ctx[idx_i]
    msg_in = jnp.concatenate([x_i, x_j - x_i, pos_j - pos_i, ctx_i], axis=1)
    m2 = msg_in @ W2m + b2m
    aggr2 = _segment_mean(m2, idx_i, N_NODES)
    upd_in = jnp.concatenate([x, aggr2], axis=1)
    out = upd_in @ W2a + b2a
    return out

if __name__ == "__main__":
    import jax
    _d = setup_inputs()
    print(jax.jit(kernel)(*tuple(_d.values())))

</pallas_src>

<mosaic_0001>
#map = affine_map<(d0, d1) -> (0, 0)>
#map1 = affine_map<(d0, d1) -> (0)>
module attributes {stable_mosaic.version = 14 : i64} {
  func.func @_sc_body(%arg0: i32, %arg1: i32, %arg2: memref<160x10000xf32, #tpu.memory_space<hbm>>, %arg3: memref<327680xi32, #tpu.memory_space<hbm>>, %arg4: memref<327680xi32, #tpu.memory_space<hbm>>, %arg5: memref<160x10240xf32, #tpu.memory_space<hbm>>, %arg6: memref<5x10000xf32, #tpu.memory_space<vmem>>, %arg7: memref<2048xi32, #tpu.memory_space<vmem>>, %arg8: memref<2048xi32, #tpu.memory_space<vmem>>, %arg9: memref<2048xi32, #tpu.memory_space<vmem>>, %arg10: memref<2048xi32, #tpu.memory_space<vmem>>, %arg11: memref<5x10240xf32, #tpu.memory_space<vmem>>, %arg12: memref<!tpu.dma_semaphore, #tpu.memory_space<semaphore_mem>>, %arg13: memref<!tpu.dma_semaphore, #tpu.memory_space<semaphore_mem>>, %arg14: memref<!tpu.dma_semaphore, #tpu.memory_space<semaphore_mem>>, %arg15: memref<!tpu.dma_semaphore, #tpu.memory_space<semaphore_mem>>) attributes {dimension_semantics = [#tpu.dimension_semantics<core_parallel>, #tpu.dimension_semantics<subcore_parallel>], iteration_bounds = array<i64: 2, 16>, scalar_prefetch = 0 : i64, scratch_operands = 10 : i64, tpu.core_type = #tpu.core_type<sc_vector_subcore>, window_params = [{transform_indices = #map}, {transform_indices = #map1}, {transform_indices = #map1}, {transform_indices = #map}]} {
    %mul3A = arith.constant 16 : i32
    %mul3A_0 = arith.muli %arg0, %mul3A : i32
    %add3A = arith.addi %mul3A_0, %arg1 : i32
    %mul3A_1 = arith.constant 5 : i32
    %mul3A_2 = arith.muli %add3A, %mul3A_1 : i32
    "tpu.region"() ({
      %run_scoped3A = tpu.sem_alloc : memref<!tpu.dma_semaphore, #tpu.memory_space<semaphore_mem>>
      %dma_start3A_29 = arith.constant 0 : i32
      %dma_start3A_30 = tpu.memref_slice %arg2[%mul3A_2, %dma_start3A_29] : memref<160x10000xf32, #tpu.memory_space<hbm>> -> memref<5x10000xf32, #tpu.memory_space<hbm>>
      %dma_start3A_31 = arith.constant 0 : i32
      %dma_start3A_32 = tpu.memref_slice %arg2[%mul3A_2, %dma_start3A_31] : memref<160x10000xf32, #tpu.memory_space<hbm>> -> memref<5x10000xf32, #tpu.memory_space<hbm>>
      tpu.enqueue_dma source(%dma_start3A_32 : memref<5x10000xf32, #tpu.memory_space<hbm>>) target(%arg6 : memref<5x10000xf32, #tpu.memory_space<vmem>>) target_semaphore(%run_scoped3A : memref<!tpu.dma_semaphore, #tpu.memory_space<semaphore_mem>>)
      %dma_wait3A = arith.constant 0 : i32
      %dma_wait3A_33 = tpu.memref_slice %arg2[%mul3A_2, %dma_wait3A] : memref<160x10000xf32, #tpu.memory_space<hbm>> -> memref<5x10000xf32, #tpu.memory_space<hbm>>
      %dma_wait3A_34 = arith.constant 0 : i32
      %dma_wait3A_35 = tpu.memref_slice %arg2[%mul3A_2, %dma_wait3A_34] : memref<160x10000xf32, #tpu.memory_space<hbm>> -> memref<5x10000xf32, #tpu.memory_space<hbm>>
      tpu.wait_dma2 semaphore(%run_scoped3A : memref<!tpu.dma_semaphore, #tpu.memory_space<semaphore_mem>>) src(%dma_wait3A_35 : memref<5x10000xf32, #tpu.memory_space<hbm>>) dst(%arg6 : memref<5x10000xf32, #tpu.memory_space<vmem>>)
      tpu.yield
    }) : () -> ()
    %scan3A = arith.constant 0 : i32
    %scan3A_3 = arith.constant 0 : i32
    %scan3A_4 = arith.constant 640 : i32
    %scan3A_5 = arith.addi %scan3A_3, %scan3A_4 : i32
    %scan3A_6 = arith.constant 1 : i32
    scf.for %scan3A_29 = %scan3A_3 to %scan3A_5 step %scan3A_6  : i32 {
      %broadcast_in_dim3A = arith.constant 0.000000e+00 : f32
      %broadcast_in_dim3A_30 = vector.broadcast %broadcast_in_dim3A : f32 to vector<16xf32>
      %mul3A_31 = arith.constant 16 : i32
      %mul3A_32 = arith.muli %scan3A_29, %mul3A_31 : i32
      %swap3A = arith.constant 0 : i32
      %swap3A_33 = arith.index_cast %swap3A : i32 to index
      %swap3A_34 = arith.index_cast %mul3A_32 : i32 to index
      %swap3A_35 = tpu.vector_load %arg11[%swap3A_33, %swap3A_34] {strides = array<i32>} : memref<5x10240xf32, #tpu.memory_space<vmem>>, vector<16xf32>,
      tpu.vector_store %arg11[%swap3A_33, %swap3A_34], %broadcast_in_dim3A_30 {strides = array<i32>} : memref<5x10240xf32, #tpu.memory_space<vmem>>, vector<16xf32>,
      %mul3A_36 = arith.constant 16 : i32
      %mul3A_37 = arith.muli %scan3A_29, %mul3A_36 : i32
      %swap3A_38 = arith.constant 1 : i32
      %swap3A_39 = arith.index_cast %swap3A_38 : i32 to index
      %swap3A_40 = arith.index_cast %mul3A_37 : i32 to index
      %swap3A_41 = tpu.vector_load %arg11[%swap3A_39, %swap3A_40] {strides = array<i32>} : memref<5x10240xf32, #tpu.memory_space<vmem>>, vector<16xf32>,
      tpu.vector_store %arg11[%swap3A_39, %swap3A_40], %broadcast_in_dim3A_30 {strides = array<i32>} : memref<5x10240xf32, #tpu.memory_space<vmem>>, vector<16xf32>,
      %mul3A_42 = arith.constant 16 : i32
      %mul3A_43 = arith.muli %scan3A_29, %mul3A_42 : i32
      %swap3A_44 = arith.constant 2 : i32
      %swap3A_45 = arith.index_cast %swap3A_44 : i32 to index
      %swap3A_46 = arith.index_cast %mul3A_43 : i32 to index
      %swap3A_47 = tpu.vector_load %arg11[%swap3A_45, %swap3A_46] {strides = array<i32>} : memref<5x10240xf32, #tpu.memory_space<vmem>>, vector<16xf32>,
      tpu.vector_store %arg11[%swap3A_45, %swap3A_46], %broadcast_in_dim3A_30 {strides = array<i32>} : memref<5x10240xf32, #tpu.memory_space<vmem>>, vector<16xf32>,
      %mul3A_48 = arith.constant 16 : i32
      %mul3A_49 = arith.muli %scan3A_29, %mul3A_48 : i32
      %swap3A_50 = arith.constant 3 : i32
      %swap3A_51 = arith.index_cast %swap3A_50 : i32 to index
      %swap3A_52 = arith.index_cast %mul3A_49 : i32 to index
      %swap3A_53 = tpu.vector_load %arg11[%swap3A_51, %swap3A_52] {strides = array<i32>} : memref<5x10240xf32, #tpu.memory_space<vmem>>, vector<16xf32>,
      tpu.vector_store %arg11[%swap3A_51, %swap3A_52], %broadcast_in_dim3A_30 {strides = array<i32>} : memref<5x10240xf32, #tpu.memory_space<vmem>>, vector<16xf32>,
      %mul3A_54 = arith.constant 16 : i32
      %mul3A_55 = arith.muli %scan3A_29, %mul3A_54 : i32
      %swap3A_56 = arith.constant 4 : i32
      %swap3A_57 = arith.index_cast %swap3A_56 : i32 to index
      %swap3A_58 = arith.index_cast %mul3A_55 : i32 to index
      %swap3A_59 = tpu.vector_load %arg11[%swap3A_57, %swap3A_58] {strides = array<i32>} : memref<5x10240xf32, #tpu.memory_space<vmem>>, vector<16xf32>,
      tpu.vector_store %arg11[%swap3A_57, %swap3A_58], %broadcast_in_dim3A_30 {strides = array<i32>} : memref<5x10240xf32, #tpu.memory_space<vmem>>, vector<16xf32>,
    }
    %scan3A_7 = arith.constant 640 : i32
    %dma_start3A = arith.constant 0 : i32
    %dma_start3A_8 = tpu.memref_slice %arg3[%dma_start3A] : memref<327680xi32, #tpu.memory_space<hbm>> -> memref<2048xi32, #tpu.memory_space<hbm>>
    %dma_start3A_9 = arith.constant 0 : i32
    %dma_start3A_10 = tpu.memref_slice %arg3[%dma_start3A_9] : memref<327680xi32, #tpu.memory_space<hbm>> -> memref<2048xi32, #tpu.memory_space<hbm>>
    tpu.enqueue_dma source(%dma_start3A_10 : memref<2048xi32, #tpu.memory_space<hbm>>) target(%arg7 : memref<2048xi32, #tpu.memory_space<vmem>>) target_semaphore(%arg12 : memref<!tpu.dma_semaphore, #tpu.memory_space<semaphore_mem>>)
    %dma_start3A_11 = arith.constant 0 : i32
    %dma_start3A_12 = tpu.memref_slice %arg4[%dma_start3A_11] : memref<327680xi32, #tpu.memory_space<hbm>> -> memref<2048xi32, #tpu.memory_space<hbm>>
    %dma_start3A_13 = arith.constant 0 : i32
    %dma_start3A_14 = tpu.memref_slice %arg4[%dma_start3A_13] : memref<327680xi32, #tpu.memory_space<hbm>> -> memref<2048xi32, #tpu.memory_space<hbm>>
    tpu.enqueue_dma source(%dma_start3A_14 : memref<2048xi32, #tpu.memory_space<hbm>>) target(%arg9 : memref<2048xi32, #tpu.memory_space<vmem>>) target_semaphore(%arg14 : memref<!tpu.dma_semaphore, #tpu.memory_space<semaphore_mem>>)
    %dma_start3A_15 = arith.constant 2048 : i32
    %dma_start3A_16 = tpu.memref_slice %arg3[%dma_start3A_15] : memref<327680xi32, #tpu.memory_space<hbm>> -> memref<2048xi32, #tpu.memory_space<hbm>>
    %dma_start3A_17 = arith.constant 2048 : i32
    %dma_start3A_18 = tpu.memref_slice %arg3[%dma_start3A_17] : memref<327680xi32, #tpu.memory_space<hbm>> -> memref<2048xi32, #tpu.memory_space<hbm>>
    tpu.enqueue_dma source(%dma_start3A_18 : memref<2048xi32, #tpu.memory_space<hbm>>) target(%arg8 : memref<2048xi32, #tpu.memory_space<vmem>>) target_semaphore(%arg13 : memref<!tpu.dma_semaphore, #tpu.memory_space<semaphore_mem>>)
    %dma_start3A_19 = arith.constant 2048 : i32
    %dma_start3A_20 = tpu.memref_slice %arg4[%dma_start3A_19] : memref<327680xi32, #tpu.memory_space<hbm>> -> memref<2048xi32, #tpu.memory_space<hbm>>
    %dma_start3A_21 = arith.constant 2048 : i32
    %dma_start3A_22 = tpu.memref_slice %arg4[%dma_start3A_21] : memref<327680xi32, #tpu.memory_space<hbm>> -> memref<2048xi32, #tpu.memory_space<hbm>>
    tpu.enqueue_dma source(%dma_start3A_22 : memref<2048xi32, #tpu.memory_space<hbm>>) target(%arg10 : memref<2048xi32, #tpu.memory_space<vmem>>) target_semaphore(%arg15 : memref<!tpu.dma_semaphore, #tpu.memory_space<semaphore_mem>>)
    %scan3A_23 = arith.constant 0 : i32
    %scan3A_24 = arith.constant 0 : i32
    %scan3A_25 = arith.constant 80 : i32
    %scan3A_26 = arith.addi %scan3A_24, %scan3A_25 : i32
    %scan3A_27 = arith.constant 1 : i32
    scf.for %scan3A_29 = %scan3A_24 to %scan3A_26 step %scan3A_27  : i32 {
      %mul3A_30 = arith.constant 2 : i32
      %mul3A_31 = arith.muli %scan3A_29, %mul3A_30 : i32
      %add3A_32 = arith.constant 0 : i32
      %add3A_33 = arith.addi %mul3A_31, %add3A_32 : i32
      %dma_wait3A = arith.constant 0 : i32
      %dma_wait3A_34 = tpu.memref_slice %arg3[%dma_wait3A] : memref<327680xi32, #tpu.memory_space<hbm>> -> memref<2048xi32, #tpu.memory_space<hbm>>
      %dma_wait3A_35 = arith.constant 0 : i32
      %dma_wait3A_36 = tpu.memref_slice %arg3[%dma_wait3A_35] : memref<327680xi32, #tpu.memory_space<hbm>> -> memref<2048xi32, #tpu.memory_space<hbm>>
      tpu.wait_dma2 semaphore(%arg12 : memref<!tpu.dma_semaphore, #tpu.memory_space<semaphore_mem>>) src(%dma_wait3A_36 : memref<2048xi32, #tpu.memory_space<hbm>>) dst(%arg7 : memref<2048xi32, #tpu.memory_space<vmem>>)
      %dma_wait3A_37 = arith.constant 0 : i32
      %dma_wait3A_38 = tpu.memref_slice %arg4[%dma_wait3A_37] : memref<327680xi32, #tpu.memory_space<hbm>> -> memref<2048xi32, #tpu.memory_space<hbm>>
      %dma_wait3A_39 = arith.constant 0 : i32
      %dma_wait3A_40 = tpu.memref_slice %arg4[%dma_wait3A_39] : memref<327680xi32, #tpu.memory_space<hbm>> -> memref<2048xi32, #tpu.memory_space<hbm>>
      tpu.wait_dma2 semaphore(%arg14 : memref<!tpu.dma_semaphore, #tpu.memory_space<semaphore_mem>>) src(%dma_wait3A_40 : memref<2048xi32, #tpu.memory_space<hbm>>) dst(%arg9 : memref<2048xi32, #tpu.memory_space<vmem>>)
      %parallel_loop3A = arith.constant 0 : i32
      %parallel_loop3A_41 = arith.constant 32 : i32
      %parallel_loop3A_42 = arith.constant 1 : i32
      scf.for %parallel_loop3A_69 = %parallel_loop3A to %parallel_loop3A_41 step %parallel_loop3A_42  : i32 {
        %parallel_loop3A_70 = arith.constant 4 : i32
        %parallel_loop3A_71 = arith.muli %parallel_loop3A_69, %parallel_loop3A_70 : i32
        %parallel_loop3A_72 = arith.constant 0 : i32
        %parallel_loop3A_73 = arith.addi %parallel_loop3A_71, %parallel_loop3A_72 : i32
        %parallel_loop3A_74 = arith.constant 16 : i32
        %parallel_loop3A_75 = arith.muli %parallel_loop3A_73, %parallel_loop3A_74 : i32
        %parallel_loop3A_76 = arith.index_cast %parallel_loop3A_75 : i32 to index
        %parallel_loop3A_77 = tpu.vector_load %arg7[%parallel_loop3A_76] {strides = array<i32>} : memref<2048xi32, #tpu.memory_space<vmem>>, vector<16xi32>,
        %parallel_loop3A_78 = arith.index_cast %parallel_loop3A_75 : i32 to index
        %parallel_loop3A_79 = tpu.vector_load %arg9[%parallel_loop3A_78] {strides = array<i32>} : memref<2048xi32, #tpu.memory_space<vmem>>, vector<16xi32>,
        %parallel_loop3A_80 = arith.constant 4 : i32
        %parallel_loop3A_81 = arith.muli %parallel_loop3A_69, %parallel_loop3A_80 : i32
        %parallel_loop3A_82 = arith.constant 1 : i32
        %parallel_loop3A_83 = arith.addi %parallel_loop3A_81, %parallel_loop3A_82 : i32
        %parallel_loop3A_84 = arith.constant 16 : i32
        %parallel_loop3A_85 = arith.muli %parallel_loop3A_83, %parallel_loop3A_84 : i32
        %parallel_loop3A_86 = arith.index_cast %parallel_loop3A_85 : i32 to index
        %parallel_loop3A_87 = tpu.vector_load %arg7[%parallel_loop3A_86] {strides = array<i32>} : memref<2048xi32, #tpu.memory_space<vmem>>, vector<16xi32>,
        %parallel_loop3A_88 = arith.index_cast %parallel_loop3A_85 : i32 to index
        %parallel_loop3A_89 = tpu.vector_load %arg9[%parallel_loop3A_88] {strides = array<i32>} : memref<2048xi32, #tpu.memory_space<vmem>>, vector<16xi32>,
        %parallel_loop3A_90 = arith.constant 4 : i32
        %parallel_loop3A_91 = arith.muli %parallel_loop3A_69, %parallel_loop3A_90 : i32
        %parallel_loop3A_92 = arith.constant 2 : i32
        %parallel_loop3A_93 = arith.addi %parallel_loop3A_91, %parallel_loop3A_92 : i32
        %parallel_loop3A_94 = arith.constant 16 : i32
        %parallel_loop3A_95 = arith.muli %parallel_loop3A_93, %parallel_loop3A_94 : i32
        %parallel_loop3A_96 = arith.index_cast %parallel_loop3A_95 : i32 to index
        %parallel_loop3A_97 = tpu.vector_load %arg7[%parallel_loop3A_96] {strides = array<i32>} : memref<2048xi32, #tpu.memory_space<vmem>>, vector<16xi32>,
        %parallel_loop3A_98 = arith.index_cast %parallel_loop3A_95 : i32 to index
        %parallel_loop3A_99 = tpu.vector_load %arg9[%parallel_loop3A_98] {strides = array<i32>} : memref<2048xi32, #tpu.memory_space<vmem>>, vector<16xi32>,
        %parallel_loop3A_100 = arith.constant 4 : i32
        %parallel_loop3A_101 = arith.muli %parallel_loop3A_69, %parallel_loop3A_100 : i32
        %parallel_loop3A_102 = arith.constant 3 : i32
        %parallel_loop3A_103 = arith.addi %parallel_loop3A_101, %parallel_loop3A_102 : i32
        %parallel_loop3A_104 = arith.constant 16 : i32
        %parallel_loop3A_105 = arith.muli %parallel_loop3A_103, %parallel_loop3A_104 : i32
        %parallel_loop3A_106 = arith.index_cast %parallel_loop3A_105 : i32 to index
        %parallel_loop3A_107 = tpu.vector_load %arg7[%parallel_loop3A_106] {strides = array<i32>} : memref<2048xi32, #tpu.memory_space<vmem>>, vector<16xi32>,
        %parallel_loop3A_108 = arith.index_cast %parallel_loop3A_105 : i32 to index
        %parallel_loop3A_109 = tpu.vector_load %arg9[%parallel_loop3A_108] {strides = array<i32>} : memref<2048xi32, #tpu.memory_space<vmem>>, vector<16xi32>,
        %parallel_loop3A_110 = arith.constant 0 : i32
        %parallel_loop3A_111 = vector.broadcast %parallel_loop3A_110 : i32 to vector<16xi32>
        %parallel_loop3A_112 = tpu.vector_load_idx %arg6[%parallel_loop3A_111, %parallel_loop3A_79] : memref<5x10000xf32, #tpu.memory_space<vmem>>[vector<16xi32>, vector<16xi32>], vector<16xf32>,
        %parallel_loop3A_113 = arith.constant 1 : i32
        %parallel_loop3A_114 = vector.broadcast %parallel_loop3A_113 : i32 to vector<16xi32>
        %parallel_loop3A_115 = tpu.vector_load_idx %arg6[%parallel_loop3A_114, %parallel_loop3A_79] : memref<5x10000xf32, #tpu.memory_space<vmem>>[vector<16xi32>, vector<16xi32>], vector<16xf32>,
        %parallel_loop3A_116 = arith.constant 2 : i32
        %parallel_loop3A_117 = vector.broadcast %parallel_loop3A_116 : i32 to vector<16xi32>
        %parallel_loop3A_118 = tpu.vector_load_idx %arg6[%parallel_loop3A_117, %parallel_loop3A_79] : memref<5x10000xf32, #tpu.memory_space<vmem>>[vector<16xi32>, vector<16xi32>], vector<16xf32>,
        %parallel_loop3A_119 = arith.constant 3 : i32
        %parallel_loop3A_120 = vector.broadcast %parallel_loop3A_119 : i32 to vector<16xi32>
        %parallel_loop3A_121 = tpu.vector_load_idx %arg6[%parallel_loop3A_120, %parallel_loop3A_79] : memref<5x10000xf32, #tpu.memory_space<vmem>>[vector<16xi32>, vector<16xi32>], vector<16xf32>,
        %parallel_loop3A_122 = arith.constant 4 : i32
        %parallel_loop3A_123 = vector.broadcast %parallel_loop3A_122 : i32 to vector<16xi32>
        %parallel_loop3A_124 = tpu.vector_load_idx %arg6[%parallel_loop3A_123, %parallel_loop3A_79] : memref<5x10000xf32, #tpu.memory_space<vmem>>[vector<16xi32>, vector<16xi32>], vector<16xf32>,
        %parallel_loop3A_125 = arith.constant 0 : i32
        %parallel_loop3A_126 = vector.broadcast %parallel_loop3A_125 : i32 to vector<16xi32>
        %parallel_loop3A_127 = tpu.vector_load_idx %arg6[%parallel_loop3A_126, %parallel_loop3A_89] : memref<5x10000xf32, #tpu.memory_space<vmem>>[vector<16xi32>, vector<16xi32>], vector<16xf32>,
        %parallel_loop3A_128 = arith.constant 1 : i32
        %parallel_loop3A_129 = vector.broadcast %parallel_loop3A_128 : i32 to vector<16xi32>
        %parallel_loop3A_130 = tpu.vector_load_idx %arg6[%parallel_loop3A_129, %parallel_loop3A_89] : memref<5x10000xf32, #tpu.memory_space<vmem>>[vector<16xi32>, vector<16xi32>], vector<16xf32>,
        %parallel_loop3A_131 = arith.constant 2 : i32
        %parallel_loop3A_132 = vector.broadcast %parallel_loop3A_131 : i32 to vector<16xi32>
        %parallel_loop3A_133 = tpu.vector_load_idx %arg6[%parallel_loop3A_132, %parallel_loop3A_89] : memref<5x10000xf32, #tpu.memory_space<vmem>>[vector<16xi32>, vector<16xi32>], vector<16xf32>,
        %parallel_loop3A_134 = arith.constant 3 : i32
        %parallel_loop3A_135 = vector.broadcast %parallel_loop3A_134 : i32 to vector<16xi32>
        %parallel_loop3A_136 = tpu.vector_load_idx %arg6[%parallel_loop3A_135, %parallel_loop3A_89] : memref<5x10000xf32, #tpu.memory_space<vmem>>[vector<16xi32>, vector<16xi32>], vector<16xf32>,
        %parallel_loop3A_137 = arith.constant 4 : i32
        %parallel_loop3A_138 = vector.broadcast %parallel_loop3A_137 : i32 to vector<16xi32>
        %parallel_loop3A_139 = tpu.vector_load_idx %arg6[%parallel_loop3A_138, %parallel_loop3A_89] : memref<5x10000xf32, #tpu.memory_space<vmem>>[vector<16xi32>, vector<16xi32>], vector<16xf32>,
        %parallel_loop3A_140 = arith.constant 0 : i32
        %parallel_loop3A_141 = vector.broadcast %parallel_loop3A_140 : i32 to vector<16xi32>
        %parallel_loop3A_142 = tpu.vector_load_idx %arg6[%parallel_loop3A_141, %parallel_loop3A_99] : memref<5x10000xf32, #tpu.memory_space<vmem>>[vector<16xi32>, vector<16xi32>], vector<16xf32>,
        %parallel_loop3A_143 = arith.constant 1 : i32
        %parallel_loop3A_144 = vector.broadcast %parallel_loop3A_143 : i32 to vector<16xi32>
        %parallel_loop3A_145 = tpu.vector_load_idx %arg6[%parallel_loop3A_144, %parallel_loop3A_99] : memref<5x10000xf32, #tpu.memory_space<vmem>>[vector<16xi32>, vector<16xi32>], vector<16xf32>,
        %parallel_loop3A_146 = arith.constant 2 : i32
        %parallel_loop3A_147 = vector.broadcast %parallel_loop3A_146 : i32 to vector<16xi32>
        %parallel_loop3A_148 = tpu.vector_load_idx %arg6[%parallel_loop3A_147, %parallel_loop3A_99] : memref<5x10000xf32, #tpu.memory_space<vmem>>[vector<16xi32>, vector<16xi32>], vector<16xf32>,
        %parallel_loop3A_149 = arith.constant 3 : i32
        %parallel_loop3A_150 = vector.broadcast %parallel_loop3A_149 : i32 to vector<16xi32>
        %parallel_loop3A_151 = tpu.vector_load_idx %arg6[%parallel_loop3A_150, %parallel_loop3A_99] : memref<5x10000xf32, #tpu.memory_space<vmem>>[vector<16xi32>, vector<16xi32>], vector<16xf32>,
        %parallel_loop3A_152 = arith.constant 4 : i32
        %parallel_loop3A_153 = vector.broadcast %parallel_loop3A_152 : i32 to vector<16xi32>
        %parallel_loop3A_154 = tpu.vector_load_idx %arg6[%parallel_loop3A_153, %parallel_loop3A_99] : memref<5x10000xf32, #tpu.memory_space<vmem>>[vector<16xi32>, vector<16xi32>], vector<16xf32>,
        %parallel_loop3A_155 = arith.constant 0 : i32
        %parallel_loop3A_156 = vector.broadcast %parallel_loop3A_155 : i32 to vector<16xi32>
        %parallel_loop3A_157 = tpu.vector_load_idx %arg6[%parallel_loop3A_156, %parallel_loop3A_109] : memref<5x10000xf32, #tpu.memory_space<vmem>>[vector<16xi32>, vector<16xi32>], vector<16xf32>,
        %parallel_loop3A_158 = arith.constant 1 : i32
        %parallel_loop3A_159 = vector.broadcast %parallel_loop3A_158 : i32 to vector<16xi32>
        %parallel_loop3A_160 = tpu.vector_load_idx %arg6[%parallel_loop3A_159, %parallel_loop3A_109] : memref<5x10000xf32, #tpu.memory_space<vmem>>[vector<16xi32>, vector<16xi32>], vector<16xf32>,
        %parallel_loop3A_161 = arith.constant 2 : i32
        %parallel_loop3A_162 = vector.broadcast %parallel_loop3A_161 : i32 to vector<16xi32>
        %parallel_loop3A_163 = tpu.vector_load_idx %arg6[%parallel_loop3A_162, %parallel_loop3A_109] : memref<5x10000xf32, #tpu.memory_space<vmem>>[vector<16xi32>, vector<16xi32>], vector<16xf32>,
        %parallel_loop3A_164 = arith.constant 3 : i32
        %parallel_loop3A_165 = vector.broadcast %parallel_loop3A_164 : i32 to vector<16xi32>
        %parallel_loop3A_166 = tpu.vector_load_idx %arg6[%parallel_loop3A_165, %parallel_loop3A_109] : memref<5x10000xf32, #tpu.memory_space<vmem>>[vector<16xi32>, vector<16xi32>], vector<16xf32>,
        %parallel_loop3A_167 = arith.constant 4 : i32
        %parallel_loop3A_168 = vector.broadcast %parallel_loop3A_167 : i32 to vector<16xi32>
        %parallel_loop3A_169 = tpu.vector_load_idx %arg6[%parallel_loop3A_168, %parallel_loop3A_109] : memref<5x10000xf32, #tpu.memory_space<vmem>>[vector<16xi32>, vector<16xi32>], vector<16xf32>,
        %parallel_loop3A_170 = arith.constant 0 : i32
        %parallel_loop3A_171 = vector.broadcast %parallel_loop3A_170 : i32 to vector<16xi32>
        tpu.vector_store_idx %arg11[%parallel_loop3A_171, %parallel_loop3A_77], %parallel_loop3A_112 {add = true} : memref<5x10240xf32, #tpu.memory_space<vmem>>[vector<16xi32>, vector<16xi32>], vector<16xf32>,
        %parallel_loop3A_172 = arith.constant 1 : i32
        %parallel_loop3A_173 = vector.broadcast %parallel_loop3A_172 : i32 to vector<16xi32>
        tpu.vector_store_idx %arg11[%parallel_loop3A_173, %parallel_loop3A_77], %parallel_loop3A_115 {add = true} : memref<5x10240xf32, #tpu.memory_space<vmem>>[vector<16xi32>, vector<16xi32>], vector<16xf32>,
        %parallel_loop3A_174 = arith.constant 2 : i32
        %parallel_loop3A_175 = vector.broadcast %parallel_loop3A_174 : i32 to vector<16xi32>
        tpu.vector_store_idx %arg11[%parallel_loop3A_175, %parallel_loop3A_77], %parallel_loop3A_118 {add = true} : memref<5x10240xf32, #tpu.memory_space<vmem>>[vector<16xi32>, vector<16xi32>], vector<16xf32>,
        %parallel_loop3A_176 = arith.constant 3 : i32
        %parallel_loop3A_177 = vector.broadcast %parallel_loop3A_176 : i32 to vector<16xi32>
        tpu.vector_store_idx %arg11[%parallel_loop3A_177, %parallel_loop3A_77], %parallel_loop3A_121 {add = true} : memref<5x10240xf32, #tpu.memory_space<vmem>>[vector<16xi32>, vector<16xi32>], vector<16xf32>,
        %parallel_loop3A_178 = arith.constant 4 : i32
        %parallel_loop3A_179 = vector.broadcast %parallel_loop3A_178 : i32 to vector<16xi32>
        tpu.vector_store_idx %arg11[%parallel_loop3A_179, %parallel_loop3A_77], %parallel_loop3A_124 {add = true} : memref<5x10240xf32, #tpu.memory_space<vmem>>[vector<16xi32>, vector<16xi32>], vector<16xf32>,
        %parallel_loop3A_180 = arith.constant 0 : i32
        %parallel_loop3A_181 = vector.broadcast %parallel_loop3A_180 : i32 to vector<16xi32>
        tpu.vector_store_idx %arg11[%parallel_loop3A_181, %parallel_loop3A_87], %parallel_loop3A_127 {add = true} : memref<5x10240xf32, #tpu.memory_space<vmem>>[vector<16xi32>, vector<16xi32>], vector<16xf32>,
        %parallel_loop3A_182 = arith.constant 1 : i32
        %parallel_loop3A_183 = vector.broadcast %parallel_loop3A_182 : i32 to vector<16xi32>
        tpu.vector_store_idx %arg11[%parallel_loop3A_183, %parallel_loop3A_87], %parallel_loop3A_130 {add = true} : memref<5x10240xf32, #tpu.memory_space<vmem>>[vector<16xi32>, vector<16xi32>], vector<16xf32>,
        %parallel_loop3A_184 = arith.constant 2 : i32
        %parallel_loop3A_185 = vector.broadcast %parallel_loop3A_184 : i32 to vector<16xi32>
        tpu.vector_store_idx %arg11[%parallel_loop3A_185, %parallel_loop3A_87], %parallel_loop3A_133 {add = true} : memref<5x10240xf32, #tpu.memory_space<vmem>>[vector<16xi32>, vector<16xi32>], vector<16xf32>,
        %parallel_loop3A_186 = arith.constant 3 : i32
        %parallel_loop3A_187 = vector.broadcast %parallel_loop3A_186 : i32 to vector<16xi32>
        tpu.vector_store_idx %arg11[%parallel_loop3A_187, %parallel_loop3A_87], %parallel_loop3A_136 {add = true} : memref<5x10240xf32, #tpu.memory_space<vmem>>[vector<16xi32>, vector<16xi32>], vector<16xf32>,
        %parallel_loop3A_188 = arith.constant 4 : i32
        %parallel_loop3A_189 = vector.broadcast %parallel_loop3A_188 : i32 to vector<16xi32>
        tpu.vector_store_idx %arg11[%parallel_loop3A_189, %parallel_loop3A_87], %parallel_loop3A_139 {add = true} : memref<5x10240xf32, #tpu.memory_space<vmem>>[vector<16xi32>, vector<16xi32>], vector<16xf32>,
        %parallel_loop3A_190 = arith.constant 0 : i32
        %parallel_loop3A_191 = vector.broadcast %parallel_loop3A_190 : i32 to vector<16xi32>
        tpu.vector_store_idx %arg11[%parallel_loop3A_191, %parallel_loop3A_97], %parallel_loop3A_142 {add = true} : memref<5x10240xf32, #tpu.memory_space<vmem>>[vector<16xi32>, vector<16xi32>], vector<16xf32>,
        %parallel_loop3A_192 = arith.constant 1 : i32
        %parallel_loop3A_193 = vector.broadcast %parallel_loop3A_192 : i32 to vector<16xi32>
        tpu.vector_store_idx %arg11[%parallel_loop3A_193, %parallel_loop3A_97], %parallel_loop3A_145 {add = true} : memref<5x10240xf32, #tpu.memory_space<vmem>>[vector<16xi32>, vector<16xi32>], vector<16xf32>,
        %parallel_loop3A_194 = arith.constant 2 : i32
        %parallel_loop3A_195 = vector.broadcast %parallel_loop3A_194 : i32 to vector<16xi32>
        tpu.vector_store_idx %arg11[%parallel_loop3A_195, %parallel_loop3A_97], %parallel_loop3A_148 {add = true} : memref<5x10240xf32, #tpu.memory_space<vmem>>[vector<16xi32>, vector<16xi32>], vector<16xf32>,
        %parallel_loop3A_196 = arith.constant 3 : i32
        %parallel_loop3A_197 = vector.broadcast %parallel_loop3A_196 : i32 to vector<16xi32>
        tpu.vector_store_idx %arg11[%parallel_loop3A_197, %parallel_loop3A_97], %parallel_loop3A_151 {add = true} : memref<5x10240xf32, #tpu.memory_space<vmem>>[vector<16xi32>, vector<16xi32>], vector<16xf32>,
        %parallel_loop3A_198 = arith.constant 4 : i32
        %parallel_loop3A_199 = vector.broadcast %parallel_loop3A_198 : i32 to vector<16xi32>
        tpu.vector_store_idx %arg11[%parallel_loop3A_199, %parallel_loop3A_97], %parallel_loop3A_154 {add = true} : memref<5x10240xf32, #tpu.memory_space<vmem>>[vector<16xi32>, vector<16xi32>], vector<16xf32>,
        %parallel_loop3A_200 = arith.constant 0 : i32
        %parallel_loop3A_201 = vector.broadcast %parallel_loop3A_200 : i32 to vector<16xi32>
        tpu.vector_store_idx %arg11[%parallel_loop3A_201, %parallel_loop3A_107], %parallel_loop3A_157 {add = true} : memref<5x10240xf32, #tpu.memory_space<vmem>>[vector<16xi32>, vector<16xi32>], vector<16xf32>,
        %parallel_loop3A_202 = arith.constant 1 : i32
        %parallel_loop3A_203 = vector.broadcast %parallel_loop3A_202 : i32 to vector<16xi32>
        tpu.vector_store_idx %arg11[%parallel_loop3A_203, %parallel_loop3A_107], %parallel_loop3A_160 {add = true} : memref<5x10240xf32, #tpu.memory_space<vmem>>[vector<16xi32>, vector<16xi32>], vector<16xf32>,
        %parallel_loop3A_204 = arith.constant 2 : i32
        %parallel_loop3A_205 = vector.broadcast %parallel_loop3A_204 : i32 to vector<16xi32>
        tpu.vector_store_idx %arg11[%parallel_loop3A_205, %parallel_loop3A_107], %parallel_loop3A_163 {add = true} : memref<5x10240xf32, #tpu.memory_space<vmem>>[vector<16xi32>, vector<16xi32>], vector<16xf32>,
        %parallel_loop3A_206 = arith.constant 3 : i32
        %parallel_loop3A_207 = vector.broadcast %parallel_loop3A_206 : i32 to vector<16xi32>
        tpu.vector_store_idx %arg11[%parallel_loop3A_207, %parallel_loop3A_107], %parallel_loop3A_166 {add = true} : memref<5x10240xf32, #tpu.memory_space<vmem>>[vector<16xi32>, vector<16xi32>], vector<16xf32>,
        %parallel_loop3A_208 = arith.constant 4 : i32
        %parallel_loop3A_209 = vector.broadcast %parallel_loop3A_208 : i32 to vector<16xi32>
        tpu.vector_store_idx %arg11[%parallel_loop3A_209, %parallel_loop3A_107], %parallel_loop3A_169 {add = true} : memref<5x10240xf32, #tpu.memory_space<vmem>>[vector<16xi32>, vector<16xi32>], vector<16xf32>,
      } {sc.loop_unroll_factor = 1 : i64, sc.parallel_access}
      %add3A_43 = arith.constant 2 : i32
      %add3A_44 = arith.addi %add3A_33, %add3A_43 : i32
      %lt3A = arith.constant 160 : i32
      %lt3A_45 = arith.cmpi slt, %add3A_44, %lt3A : i32
      %convert_element_type3A = arith.extui %lt3A_45 : i1 to i32
      %cond3A = arith.constant 0 : i32
      %cond3A_46 = arith.cmpi ne, %convert_element_type3A, %cond3A : i32
      scf.if %cond3A_46 {
        %add3A_69 = arith.constant 2 : i32
        %add3A_70 = arith.addi %add3A_33, %add3A_69 : i32
        %mul3A_71 = arith.constant 2048 : i32
        %mul3A_72 = arith.muli %add3A_70, %mul3A_71 : i32
        %dma_start3A_73 = tpu.memref_slice %arg3[%mul3A_72] : memref<327680xi32, #tpu.memory_space<hbm>> -> memref<2048xi32, #tpu.memory_space<hbm>>
        %dma_start3A_74 = tpu.memref_slice %arg3[%mul3A_72] : memref<327680xi32, #tpu.memory_space<hbm>> -> memref<2048xi32, #tpu.memory_space<hbm>>
        tpu.enqueue_dma source(%dma_start3A_74 : memref<2048xi32, #tpu.memory_space<hbm>>) target(%arg7 : memref<2048xi32, #tpu.memory_space<vmem>>) target_semaphore(%arg12 : memref<!tpu.dma_semaphore, #tpu.memory_space<semaphore_mem>>)
        %dma_start3A_75 = tpu.memref_slice %arg4[%mul3A_72] : memref<327680xi32, #tpu.memory_space<hbm>> -> memref<2048xi32, #tpu.memory_space<hbm>>
        %dma_start3A_76 = tpu.memref_slice %arg4[%mul3A_72] : memref<327680xi32, #tpu.memory_space<hbm>> -> memref<2048xi32, #tpu.memory_space<hbm>>
        tpu.enqueue_dma source(%dma_start3A_76 : memref<2048xi32, #tpu.memory_space<hbm>>) target(%arg9 : memref<2048xi32, #tpu.memory_space<vmem>>) target_semaphore(%arg14 : memref<!tpu.dma_semaphore, #tpu.memory_space<semaphore_mem>>)
      } else {
      }
      %mul3A_47 = arith.constant 2 : i32
      %mul3A_48 = arith.muli %scan3A_29, %mul3A_47 : i32
      %add3A_49 = arith.constant 1 : i32
      %add3A_50 = arith.addi %mul3A_48, %add3A_49 : i32
      %dma_wait3A_51 = arith.constant 0 : i32
      %dma_wait3A_52 = tpu.memref_slice %arg3[%dma_wait3A_51] : memref<327680xi32, #tpu.memory_space<hbm>> -> memref<2048xi32, #tpu.memory_space<hbm>>
      %dma_wait3A_53 = arith.constant 0 : i32
      %dma_wait3A_54 = tpu.memref_slice %arg3[%dma_wait3A_53] : memref<327680xi32, #tpu.memory_space<hbm>> -> memref<2048xi32, #tpu.memory_space<hbm>>
      tpu.wait_dma2 semaphore(%arg13 : memref<!tpu.dma_semaphore, #tpu.memory_space<semaphore_mem>>) src(%dma_wait3A_54 : memref<2048xi32, #tpu.memory_space<hbm>>) dst(%arg8 : memref<2048xi32, #tpu.memory_space<vmem>>)
      %dma_wait3A_55 = arith.constant 0 : i32
      %dma_wait3A_56 = tpu.memref_slice %arg4[%dma_wait3A_55] : memref<327680xi32, #tpu.memory_space<hbm>> -> memref<2048xi32, #tpu.memory_space<hbm>>
      %dma_wait3A_57 = arith.constant 0 : i32
      %dma_wait3A_58 = tpu.memref_slice %arg4[%dma_wait3A_57] : memref<327680xi32, #tpu.memory_space<hbm>> -> memref<2048xi32, #tpu.memory_space<hbm>>
      tpu.wait_dma2 semaphore(%arg15 : memref<!tpu.dma_semaphore, #tpu.memory_space<semaphore_mem>>) src(%dma_wait3A_58 : memref<2048xi32, #tpu.memory_space<hbm>>) dst(%arg10 : memref<2048xi32, #tpu.memory_space<vmem>>)
      %parallel_loop3A_59 = arith.constant 0 : i32
      %parallel_loop3A_60 = arith.constant 32 : i32
      %parallel_loop3A_61 = arith.constant 1 : i32
      scf.for %parallel_loop3A_69 = %parallel_loop3A_59 to %parallel_loop3A_60 step %parallel_loop3A_61  : i32 {
        %parallel_loop3A_70 = arith.constant 4 : i32
        %parallel_loop3A_71 = arith.muli %parallel_loop3A_69, %parallel_loop3A_70 : i32
        %parallel_loop3A_72 = arith.constant 0 : i32
        %parallel_loop3A_73 = arith.addi %parallel_loop3A_71, %parallel_loop3A_72 : i32
        %parallel_loop3A_74 = arith.constant 16 : i32
        %parallel_loop3A_75 = arith.muli %parallel_loop3A_73, %parallel_loop3A_74 : i32
        %parallel_loop3A_76 = arith.index_cast %parallel_loop3A_75 : i32 to index
        %parallel_loop3A_77 = tpu.vector_load %arg8[%parallel_loop3A_76] {strides = array<i32>} : memref<2048xi32, #tpu.memory_space<vmem>>, vector<16xi32>,
        %parallel_loop3A_78 = arith.index_cast %parallel_loop3A_75 : i32 to index
        %parallel_loop3A_79 = tpu.vector_load %arg10[%parallel_loop3A_78] {strides = array<i32>} : memref<2048xi32, #tpu.memory_space<vmem>>, vector<16xi32>,
        %parallel_loop3A_80 = arith.constant 4 : i32
        %parallel_loop3A_81 = arith.muli %parallel_loop3A_69, %parallel_loop3A_80 : i32
        %parallel_loop3A_82 = arith.constant 1 : i32
        %parallel_loop3A_83 = arith.addi %parallel_loop3A_81, %parallel_loop3A_82 : i32
        %parallel_loop3A_84 = arith.constant 16 : i32
        %parallel_loop3A_85 = arith.muli %parallel_loop3A_83, %parallel_loop3A_84 : i32
        %parallel_loop3A_86 = arith.index_cast %parallel_loop3A_85 : i32 to index
        %parallel_loop3A_87 = tpu.vector_load %arg8[%parallel_loop3A_86] {strides = array<i32>} : memref<2048xi32, #tpu.memory_space<vmem>>, vector<16xi32>,
        %parallel_loop3A_88 = arith.index_cast %parallel_loop3A_85 : i32 to index
        %parallel_loop3A_89 = tpu.vector_load %arg10[%parallel_loop3A_88] {strides = array<i32>} : memref<2048xi32, #tpu.memory_space<vmem>>, vector<16xi32>,
        %parallel_loop3A_90 = arith.constant 4 : i32
        %parallel_loop3A_91 = arith.muli %parallel_loop3A_69, %parallel_loop3A_90 : i32
        %parallel_loop3A_92 = arith.constant 2 : i32
        %parallel_loop3A_93 = arith.addi %parallel_loop3A_91, %parallel_loop3A_92 : i32
        %parallel_loop3A_94 = arith.constant 16 : i32
        %parallel_loop3A_95 = arith.muli %parallel_loop3A_93, %parallel_loop3A_94 : i32
        %parallel_loop3A_96 = arith.index_cast %parallel_loop3A_95 : i32 to index
        %parallel_loop3A_97 = tpu.vector_load %arg8[%parallel_loop3A_96] {strides = array<i32>} : memref<2048xi32, #tpu.memory_space<vmem>>, vector<16xi32>,
        %parallel_loop3A_98 = arith.index_cast %parallel_loop3A_95 : i32 to index
        %parallel_loop3A_99 = tpu.vector_load %arg10[%parallel_loop3A_98] {strides = array<i32>} : memref<2048xi32, #tpu.memory_space<vmem>>, vector<16xi32>,
        %parallel_loop3A_100 = arith.constant 4 : i32
        %parallel_loop3A_101 = arith.muli %parallel_loop3A_69, %parallel_loop3A_100 : i32
        %parallel_loop3A_102 = arith.constant 3 : i32
        %parallel_loop3A_103 = arith.addi %parallel_loop3A_101, %parallel_loop3A_102 : i32
        %parallel_loop3A_104 = arith.constant 16 : i32
        %parallel_loop3A_105 = arith.muli %parallel_loop3A_103, %parallel_loop3A_104 : i32
        %parallel_loop3A_106 = arith.index_cast %parallel_loop3A_105 : i32 to index
        %parallel_loop3A_107 = tpu.vector_load %arg8[%parallel_loop3A_106] {strides = array<i32>} : memref<2048xi32, #tpu.memory_space<vmem>>, vector<16xi32>,
        %parallel_loop3A_108 = arith.index_cast %parallel_loop3A_105 : i32 to index
        %parallel_loop3A_109 = tpu.vector_load %arg10[%parallel_loop3A_108] {strides = array<i32>} : memref<2048xi32, #tpu.memory_space<vmem>>, vector<16xi32>,
        %parallel_loop3A_110 = arith.constant 0 : i32
        %parallel_loop3A_111 = vector.broadcast %parallel_loop3A_110 : i32 to vector<16xi32>
        %parallel_loop3A_112 = tpu.vector_load_idx %arg6[%parallel_loop3A_111, %parallel_loop3A_79] : memref<5x10000xf32, #tpu.memory_space<vmem>>[vector<16xi32>, vector<16xi32>], vector<16xf32>,
        %parallel_loop3A_113 = arith.constant 1 : i32
        %parallel_loop3A_114 = vector.broadcast %parallel_loop3A_113 : i32 to vector<16xi32>
        %parallel_loop3A_115 = tpu.vector_load_idx %arg6[%parallel_loop3A_114, %parallel_loop3A_79] : memref<5x10000xf32, #tpu.memory_space<vmem>>[vector<16xi32>, vector<16xi32>], vector<16xf32>,
        %parallel_loop3A_116 = arith.constant 2 : i32
        %parallel_loop3A_117 = vector.broadcast %parallel_loop3A_116 : i32 to vector<16xi32>
        %parallel_loop3A_118 = tpu.vector_load_idx %arg6[%parallel_loop3A_117, %parallel_loop3A_79] : memref<5x10000xf32, #tpu.memory_space<vmem>>[vector<16xi32>, vector<16xi32>], vector<16xf32>,
        %parallel_loop3A_119 = arith.constant 3 : i32
        %parallel_loop3A_120 = vector.broadcast %parallel_loop3A_119 : i32 to vector<16xi32>
        %parallel_loop3A_121 = tpu.vector_load_idx %arg6[%parallel_loop3A_120, %parallel_loop3A_79] : memref<5x10000xf32, #tpu.memory_space<vmem>>[vector<16xi32>, vector<16xi32>], vector<16xf32>,
        %parallel_loop3A_122 = arith.constant 4 : i32
        %parallel_loop3A_123 = vector.broadcast %parallel_loop3A_122 : i32 to vector<16xi32>
        %parallel_loop3A_124 = tpu.vector_load_idx %arg6[%parallel_loop3A_123, %parallel_loop3A_79] : memref<5x10000xf32, #tpu.memory_space<vmem>>[vector<16xi32>, vector<16xi32>], vector<16xf32>,
        %parallel_loop3A_125 = arith.constant 0 : i32
        %parallel_loop3A_126 = vector.broadcast %parallel_loop3A_125 : i32 to vector<16xi32>
        %parallel_loop3A_127 = tpu.vector_load_idx %arg6[%parallel_loop3A_126, %parallel_loop3A_89] : memref<5x10000xf32, #tpu.memory_space<vmem>>[vector<16xi32>, vector<16xi32>], vector<16xf32>,
        %parallel_loop3A_128 = arith.constant 1 : i32
        %parallel_loop3A_129 = vector.broadcast %parallel_loop3A_128 : i32 to vector<16xi32>
        %parallel_loop3A_130 = tpu.vector_load_idx %arg6[%parallel_loop3A_129, %parallel_loop3A_89] : memref<5x10000xf32, #tpu.memory_space<vmem>>[vector<16xi32>, vector<16xi32>], vector<16xf32>,
        %parallel_loop3A_131 = arith.constant 2 : i32
        %parallel_loop3A_132 = vector.broadcast %parallel_loop3A_131 : i32 to vector<16xi32>
        %parallel_loop3A_133 = tpu.vector_load_idx %arg6[%parallel_loop3A_132, %parallel_loop3A_89] : memref<5x10000xf32, #tpu.memory_space<vmem>>[vector<16xi32>, vector<16xi32>], vector<16xf32>,
        %parallel_loop3A_134 = arith.constant 3 : i32
        %parallel_loop3A_135 = vector.broadcast %parallel_loop3A_134 : i32 to vector<16xi32>
        %parallel_loop3A_136 = tpu.vector_load_idx %arg6[%parallel_loop3A_135, %parallel_loop3A_89] : memref<5x10000xf32, #tpu.memory_space<vmem>>[vector<16xi32>, vector<16xi32>], vector<16xf32>,
        %parallel_loop3A_137 = arith.constant 4 : i32
        %parallel_loop3A_138 = vector.broadcast %parallel_loop3A_137 : i32 to vector<16xi32>
        %parallel_loop3A_139 = tpu.vector_load_idx %arg6[%parallel_loop3A_138, %parallel_loop3A_89] : memref<5x10000xf32, #tpu.memory_space<vmem>>[vector<16xi32>, vector<16xi32>], vector<16xf32>,
        %parallel_loop3A_140 = arith.constant 0 : i32
        %parallel_loop3A_141 = vector.broadcast %parallel_loop3A_140 : i32 to vector<16xi32>
        %parallel_loop3A_142 = tpu.vector_load_idx %arg6[%parallel_loop3A_141, %parallel_loop3A_99] : memref<5x10000xf32, #tpu.memory_space<vmem>>[vector<16xi32>, vector<16xi32>], vector<16xf32>,
        %parallel_loop3A_143 = arith.constant 1 : i32
        %parallel_loop3A_144 = vector.broadcast %parallel_loop3A_143 : i32 to vector<16xi32>
        %parallel_loop3A_145 = tpu.vector_load_idx %arg6[%parallel_loop3A_144, %parallel_loop3A_99] : memref<5x10000xf32, #tpu.memory_space<vmem>>[vector<16xi32>, vector<16xi32>], vector<16xf32>,
        %parallel_loop3A_146 = arith.constant 2 : i32
        %parallel_loop3A_147 = vector.broadcast %parallel_loop3A_146 : i32 to vector<16xi32>
        %parallel_loop3A_148 = tpu.vector_load_idx %arg6[%parallel_loop3A_147, %parallel_loop3A_99] : memref<5x10000xf32, #tpu.memory_space<vmem>>[vector<16xi32>, vector<16xi32>], vector<16xf32>,
        %parallel_loop3A_149 = arith.constant 3 : i32
        %parallel_loop3A_150 = vector.broadcast %parallel_loop3A_149 : i32 to vector<16xi32>
        %parallel_loop3A_151 = tpu.vector_load_idx %arg6[%parallel_loop3A_150, %parallel_loop3A_99] : memref<5x10000xf32, #tpu.memory_space<vmem>>[vector<16xi32>, vector<16xi32>], vector<16xf32>,
        %parallel_loop3A_152 = arith.constant 4 : i32
        %parallel_loop3A_153 = vector.broadcast %parallel_loop3A_152 : i32 to vector<16xi32>
        %parallel_loop3A_154 = tpu.vector_load_idx %arg6[%parallel_loop3A_153, %parallel_loop3A_99] : memref<5x10000xf32, #tpu.memory_space<vmem>>[vector<16xi32>, vector<16xi32>], vector<16xf32>,
        %parallel_loop3A_155 = arith.constant 0 : i32
        %parallel_loop3A_156 = vector.broadcast %parallel_loop3A_155 : i32 to vector<16xi32>
        %parallel_loop3A_157 = tpu.vector_load_idx %arg6[%parallel_loop3A_156, %parallel_loop3A_109] : memref<5x10000xf32, #tpu.memory_space<vmem>>[vector<16xi32>, vector<16xi32>], vector<16xf32>,
        %parallel_loop3A_158 = arith.constant 1 : i32
        %parallel_loop3A_159 = vector.broadcast %parallel_loop3A_158 : i32 to vector<16xi32>
        %parallel_loop3A_160 = tpu.vector_load_idx %arg6[%parallel_loop3A_159, %parallel_loop3A_109] : memref<5x10000xf32, #tpu.memory_space<vmem>>[vector<16xi32>, vector<16xi32>], vector<16xf32>,
        %parallel_loop3A_161 = arith.constant 2 : i32
        %parallel_loop3A_162 = vector.broadcast %parallel_loop3A_161 : i32 to vector<16xi32>
        %parallel_loop3A_163 = tpu.vector_load_idx %arg6[%parallel_loop3A_162, %parallel_loop3A_109] : memref<5x10000xf32, #tpu.memory_space<vmem>>[vector<16xi32>, vector<16xi32>], vector<16xf32>,
        %parallel_loop3A_164 = arith.constant 3 : i32
        %parallel_loop3A_165 = vector.broadcast %parallel_loop3A_164 : i32 to vector<16xi32>
        %parallel_loop3A_166 = tpu.vector_load_idx %arg6[%parallel_loop3A_165, %parallel_loop3A_109] : memref<5x10000xf32, #tpu.memory_space<vmem>>[vector<16xi32>, vector<16xi32>], vector<16xf32>,
        %parallel_loop3A_167 = arith.constant 4 : i32
        %parallel_loop3A_168 = vector.broadcast %parallel_loop3A_167 : i32 to vector<16xi32>
        %parallel_loop3A_169 = tpu.vector_load_idx %arg6[%parallel_loop3A_168, %parallel_loop3A_109] : memref<5x10000xf32, #tpu.memory_space<vmem>>[vector<16xi32>, vector<16xi32>], vector<16xf32>,
        %parallel_loop3A_170 = arith.constant 0 : i32
        %parallel_loop3A_171 = vector.broadcast %parallel_loop3A_170 : i32 to vector<16xi32>
        tpu.vector_store_idx %arg11[%parallel_loop3A_171, %parallel_loop3A_77], %parallel_loop3A_112 {add = true} : memref<5x10240xf32, #tpu.memory_space<vmem>>[vector<16xi32>, vector<16xi32>], vector<16xf32>,
        %parallel_loop3A_172 = arith.constant 1 : i32
        %parallel_loop3A_173 = vector.broadcast %parallel_loop3A_172 : i32 to vector<16xi32>
        tpu.vector_store_idx %arg11[%parallel_loop3A_173, %parallel_loop3A_77], %parallel_loop3A_115 {add = true} : memref<5x10240xf32, #tpu.memory_space<vmem>>[vector<16xi32>, vector<16xi32>], vector<16xf32>,
        %parallel_loop3A_174 = arith.constant 2 : i32
        %parallel_loop3A_175 = vector.broadcast %parallel_loop3A_174 : i32 to vector<16xi32>
        tpu.vector_store_idx %arg11[%parallel_loop3A_175, %parallel_loop3A_77], %parallel_loop3A_118 {add = true} : memref<5x10240xf32, #tpu.memory_space<vmem>>[vector<16xi32>, vector<16xi32>], vector<16xf32>,
        %parallel_loop3A_176 = arith.constant 3 : i32
        %parallel_loop3A_177 = vector.broadcast %parallel_loop3A_176 : i32 to vector<16xi32>
        tpu.vector_store_idx %arg11[%parallel_loop3A_177, %parallel_loop3A_77], %parallel_loop3A_121 {add = true} : memref<5x10240xf32, #tpu.memory_space<vmem>>[vector<16xi32>, vector<16xi32>], vector<16xf32>,
        %parallel_loop3A_178 = arith.constant 4 : i32
        %parallel_loop3A_179 = vector.broadcast %parallel_loop3A_178 : i32 to vector<16xi32>
        tpu.vector_store_idx %arg11[%parallel_loop3A_179, %parallel_loop3A_77], %parallel_loop3A_124 {add = true} : memref<5x10240xf32, #tpu.memory_space<vmem>>[vector<16xi32>, vector<16xi32>], vector<16xf32>,
        %parallel_loop3A_180 = arith.constant 0 : i32
        %parallel_loop3A_181 = vector.broadcast %parallel_loop3A_180 : i32 to vector<16xi32>
        tpu.vector_store_idx %arg11[%parallel_loop3A_181, %parallel_loop3A_87], %parallel_loop3A_127 {add = true} : memref<5x10240xf32, #tpu.memory_space<vmem>>[vector<16xi32>, vector<16xi32>], vector<16xf32>,
        %parallel_loop3A_182 = arith.constant 1 : i32
        %parallel_loop3A_183 = vector.broadcast %parallel_loop3A_182 : i32 to vector<16xi32>
        tpu.vector_store_idx %arg11[%parallel_loop3A_183, %parallel_loop3A_87], %parallel_loop3A_130 {add = true} : memref<5x10240xf32, #tpu.memory_space<vmem>>[vector<16xi32>, vector<16xi32>], vector<16xf32>,
        %parallel_loop3A_184 = arith.constant 2 : i32
        %parallel_loop3A_185 = vector.broadcast %parallel_loop3A_184 : i32 to vector<16xi32>
        tpu.vector_store_idx %arg11[%parallel_loop3A_185, %parallel_loop3A_87], %parallel_loop3A_133 {add = true} : memref<5x10240xf32, #tpu.memory_space<vmem>>[vector<16xi32>, vector<16xi32>], vector<16xf32>,
        %parallel_loop3A_186 = arith.constant 3 : i32
        %parallel_loop3A_187 = vector.broadcast %parallel_loop3A_186 : i32 to vector<16xi32>
        tpu.vector_store_idx %arg11[%parallel_loop3A_187, %parallel_loop3A_87], %parallel_loop3A_136 {add = true} : memref<5x10240xf32, #tpu.memory_space<vmem>>[vector<16xi32>, vector<16xi32>], vector<16xf32>,
        %parallel_loop3A_188 = arith.constant 4 : i32
        %parallel_loop3A_189 = vector.broadcast %parallel_loop3A_188 : i32 to vector<16xi32>
        tpu.vector_store_idx %arg11[%parallel_loop3A_189, %parallel_loop3A_87], %parallel_loop3A_139 {add = true} : memref<5x10240xf32, #tpu.memory_space<vmem>>[vector<16xi32>, vector<16xi32>], vector<16xf32>,
        %parallel_loop3A_190 = arith.constant 0 : i32
        %parallel_loop3A_191 = vector.broadcast %parallel_loop3A_190 : i32 to vector<16xi32>
        tpu.vector_store_idx %arg11[%parallel_loop3A_191, %parallel_loop3A_97], %parallel_loop3A_142 {add = true} : memref<5x10240xf32, #tpu.memory_space<vmem>>[vector<16xi32>, vector<16xi32>], vector<16xf32>,
        %parallel_loop3A_192 = arith.constant 1 : i32
        %parallel_loop3A_193 = vector.broadcast %parallel_loop3A_192 : i32 to vector<16xi32>
        tpu.vector_store_idx %arg11[%parallel_loop3A_193, %parallel_loop3A_97], %parallel_loop3A_145 {add = true} : memref<5x10240xf32, #tpu.memory_space<vmem>>[vector<16xi32>, vector<16xi32>], vector<16xf32>,
        %parallel_loop3A_194 = arith.constant 2 : i32
        %parallel_loop3A_195 = vector.broadcast %parallel_loop3A_194 : i32 to vector<16xi32>
        tpu.vector_store_idx %arg11[%parallel_loop3A_195, %parallel_loop3A_97], %parallel_loop3A_148 {add = true} : memref<5x10240xf32, #tpu.memory_space<vmem>>[vector<16xi32>, vector<16xi32>], vector<16xf32>,
        %parallel_loop3A_196 = arith.constant 3 : i32
        %parallel_loop3A_197 = vector.broadcast %parallel_loop3A_196 : i32 to vector<16xi32>
        tpu.vector_store_idx %arg11[%parallel_loop3A_197, %parallel_loop3A_97], %parallel_loop3A_151 {add = true} : memref<5x10240xf32, #tpu.memory_space<vmem>>[vector<16xi32>, vector<16xi32>], vector<16xf32>,
        %parallel_loop3A_198 = arith.constant 4 : i32
        %parallel_loop3A_199 = vector.broadcast %parallel_loop3A_198 : i32 to vector<16xi32>
        tpu.vector_store_idx %arg11[%parallel_loop3A_199, %parallel_loop3A_97], %parallel_loop3A_154 {add = true} : memref<5x10240xf32, #tpu.memory_space<vmem>>[vector<16xi32>, vector<16xi32>], vector<16xf32>,
        %parallel_loop3A_200 = arith.constant 0 : i32
        %parallel_loop3A_201 = vector.broadcast %parallel_loop3A_200 : i32 to vector<16xi32>
        tpu.vector_store_idx %arg11[%parallel_loop3A_201, %parallel_loop3A_107], %parallel_loop3A_157 {add = true} : memref<5x10240xf32, #tpu.memory_space<vmem>>[vector<16xi32>, vector<16xi32>], vector<16xf32>,
        %parallel_loop3A_202 = arith.constant 1 : i32
        %parallel_loop3A_203 = vector.broadcast %parallel_loop3A_202 : i32 to vector<16xi32>
        tpu.vector_store_idx %arg11[%parallel_loop3A_203, %parallel_loop3A_107], %parallel_loop3A_160 {add = true} : memref<5x10240xf32, #tpu.memory_space<vmem>>[vector<16xi32>, vector<16xi32>], vector<16xf32>,
        %parallel_loop3A_204 = arith.constant 2 : i32
        %parallel_loop3A_205 = vector.broadcast %parallel_loop3A_204 : i32 to vector<16xi32>
        tpu.vector_store_idx %arg11[%parallel_loop3A_205, %parallel_loop3A_107], %parallel_loop3A_163 {add = true} : memref<5x10240xf32, #tpu.memory_space<vmem>>[vector<16xi32>, vector<16xi32>], vector<16xf32>,
        %parallel_loop3A_206 = arith.constant 3 : i32
        %parallel_loop3A_207 = vector.broadcast %parallel_loop3A_206 : i32 to vector<16xi32>
        tpu.vector_store_idx %arg11[%parallel_loop3A_207, %parallel_loop3A_107], %parallel_loop3A_166 {add = true} : memref<5x10240xf32, #tpu.memory_space<vmem>>[vector<16xi32>, vector<16xi32>], vector<16xf32>,
        %parallel_loop3A_208 = arith.constant 4 : i32
        %parallel_loop3A_209 = vector.broadcast %parallel_loop3A_208 : i32 to vector<16xi32>
        tpu.vector_store_idx %arg11[%parallel_loop3A_209, %parallel_loop3A_107], %parallel_loop3A_169 {add = true} : memref<5x10240xf32, #tpu.memory_space<vmem>>[vector<16xi32>, vector<16xi32>], vector<16xf32>,
      } {sc.loop_unroll_factor = 1 : i64, sc.parallel_access}
      %add3A_62 = arith.constant 2 : i32
      %add3A_63 = arith.addi %add3A_50, %add3A_62 : i32
      %lt3A_64 = arith.constant 160 : i32
      %lt3A_65 = arith.cmpi slt, %add3A_63, %lt3A_64 : i32
      %convert_element_type3A_66 = arith.extui %lt3A_65 : i1 to i32
      %cond3A_67 = arith.constant 0 : i32
      %cond3A_68 = arith.cmpi ne, %convert_element_type3A_66, %cond3A_67 : i32
      scf.if %cond3A_68 {
        %add3A_69 = arith.constant 2 : i32
        %add3A_70 = arith.addi %add3A_50, %add3A_69 : i32
        %mul3A_71 = arith.constant 2048 : i32
        %mul3A_72 = arith.muli %add3A_70, %mul3A_71 : i32
        %dma_start3A_73 = tpu.memref_slice %arg3[%mul3A_72] : memref<327680xi32, #tpu.memory_space<hbm>> -> memref<2048xi32, #tpu.memory_space<hbm>>
        %dma_start3A_74 = tpu.memref_slice %arg3[%mul3A_72] : memref<327680xi32, #tpu.memory_space<hbm>> -> memref<2048xi32, #tpu.memory_space<hbm>>
        tpu.enqueue_dma source(%dma_start3A_74 : memref<2048xi32, #tpu.memory_space<hbm>>) target(%arg8 : memref<2048xi32, #tpu.memory_space<vmem>>) target_semaphore(%arg13 : memref<!tpu.dma_semaphore, #tpu.memory_space<semaphore_mem>>)
        %dma_start3A_75 = tpu.memref_slice %arg4[%mul3A_72] : memref<327680xi32, #tpu.memory_space<hbm>> -> memref<2048xi32, #tpu.memory_space<hbm>>
        %dma_start3A_76 = tpu.memref_slice %arg4[%mul3A_72] : memref<327680xi32, #tpu.memory_space<hbm>> -> memref<2048xi32, #tpu.memory_space<hbm>>
        tpu.enqueue_dma source(%dma_start3A_76 : memref<2048xi32, #tpu.memory_space<hbm>>) target(%arg10 : memref<2048xi32, #tpu.memory_space<vmem>>) target_semaphore(%arg15 : memref<!tpu.dma_semaphore, #tpu.memory_space<semaphore_mem>>)
      } else {
      }
    }
    %scan3A_28 = arith.constant 80 : i32
    "tpu.region"() ({
      %run_scoped3A = tpu.sem_alloc : memref<!tpu.dma_semaphore, #tpu.memory_space<semaphore_mem>>
      %dma_start3A_29 = arith.constant 0 : i32
      %dma_start3A_30 = tpu.memref_slice %arg5[%mul3A_2, %dma_start3A_29] : memref<160x10240xf32, #tpu.memory_space<hbm>> -> memref<5x10240xf32, #tpu.memory_space<hbm>>
      %dma_start3A_31 = arith.constant 0 : i32
      %dma_start3A_32 = tpu.memref_slice %arg5[%mul3A_2, %dma_start3A_31] : memref<160x10240xf32, #tpu.memory_space<hbm>> -> memref<5x10240xf32, #tpu.memory_space<hbm>>
      tpu.enqueue_dma source(%arg11 : memref<5x10240xf32, #tpu.memory_space<vmem>>) target(%dma_start3A_32 : memref<5x10240xf32, #tpu.memory_space<hbm>>) target_semaphore(%run_scoped3A : memref<!tpu.dma_semaphore, #tpu.memory_space<semaphore_mem>>)
      %dma_wait3A = arith.constant 0 : i32
      %dma_wait3A_33 = tpu.memref_slice %arg5[%mul3A_2, %dma_wait3A] : memref<160x10240xf32, #tpu.memory_space<hbm>> -> memref<5x10240xf32, #tpu.memory_space<hbm>>
      %dma_wait3A_34 = arith.constant 0 : i32
      %dma_wait3A_35 = tpu.memref_slice %arg5[%mul3A_2, %dma_wait3A_34] : memref<160x10240xf32, #tpu.memory_space<hbm>> -> memref<5x10240xf32, #tpu.memory_space<hbm>>
      tpu.wait_dma2 semaphore(%run_scoped3A : memref<!tpu.dma_semaphore, #tpu.memory_space<semaphore_mem>>) src(%arg11 : memref<5x10240xf32, #tpu.memory_space<vmem>>) dst(%dma_wait3A_35 : memref<5x10240xf32, #tpu.memory_space<hbm>>)
      tpu.yield
    }) : () -> ()
    return
  }
}

module attributes {stable_mosaic.version = 14 : i64} {
  func.func @_tc_dense_body(%arg0: i32, %arg1: memref<160x1024xf32, #tpu.memory_space<vmem>>, %arg2: memref<160x1024xf32, #tpu.memory_space<vmem>>, %arg3: memref<32x3xf32, #tpu.memory_space<vmem>>, %arg4: memref<32x1xf32, #tpu.memory_space<vmem>>, %arg5: memref<32x32xf32, #tpu.memory_space<vmem>>, %arg6: memref<32x1xf32, #tpu.memory_space<vmem>>, %arg7: memref<128x128xf32, #tpu.memory_space<vmem>>, %arg8: memref<128x128xf32, #tpu.memory_space<vmem>>, %arg9: memref<128x3xf32, #tpu.memory_space<vmem>>, %arg10: memref<128x32xf32, #tpu.memory_space<vmem>>, %arg11: memref<128x1xf32, #tpu.memory_space<vmem>>, %arg12: memref<128x128xf32, #tpu.memory_space<vmem>>, %arg13: memref<128x128xf32, #tpu.memory_space<vmem>>, %arg14: memref<128x1xf32, #tpu.memory_space<vmem>>, %arg15: memref<1024x128xf32, #tpu.memory_space<vmem>>) attributes {dimension_semantics = [#tpu.dimension_semantics<arbitrary>], iteration_bounds = array<i64: 10>, scalar_prefetch = 0 : i64, scratch_operands = 0 : i64, tpu.core_type = #tpu.core_type<tc>, window_params = [{transform_indices = @transform_0, window_bounds = array<i64: 160, 1024>}, {transform_indices = @transform_1, window_bounds = array<i64: 160, 1024>}, {pipeline_mode = #tpu.pipeline_mode<synchronous>, transform_indices = @transform_2, window_bounds = array<i64: 32, 3>}, {pipeline_mode = #tpu.pipeline_mode<synchronous>, transform_indices = @transform_3, window_bounds = array<i64: 32, 1>}, {pipeline_mode = #tpu.pipeline_mode<synchronous>, transform_indices = @transform_4, window_bounds = array<i64: 32, 32>}, {pipeline_mode = #tpu.pipeline_mode<synchronous>, transform_indices = @transform_5, window_bounds = array<i64: 32, 1>}, {pipeline_mode = #tpu.pipeline_mode<synchronous>, transform_indices = @transform_6, window_bounds = array<i64: 128, 128>}, {pipeline_mode = #tpu.pipeline_mode<synchronous>, transform_indices = @transform_7, window_bounds = array<i64: 128, 128>}, {pipeline_mode = #tpu.pipeline_mode<synchronous>, transform_indices = @transform_8, window_bounds = array<i64: 128, 3>}, {pipeline_mode = #tpu.pipeline_mode<synchronous>, transform_indices = @transform_9, window_bounds = array<i64: 128, 32>}, {pipeline_mode = #tpu.pipeline_mode<synchronous>, transform_indices = @transform_10, window_bounds = array<i64: 128, 1>}, {pipeline_mode = #tpu.pipeline_mode<synchronous>, transform_indices = @transform_11, window_bounds = array<i64: 128, 128>}, {pipeline_mode = #tpu.pipeline_mode<synchronous>, transform_indices = @transform_12, window_bounds = array<i64: 128, 128>}, {pipeline_mode = #tpu.pipeline_mode<synchronous>, transform_indices = @transform_13, window_bounds = array<i64: 128, 1>}, {transform_indices = @transform_14, window_bounds = array<i64: 1024, 128>}]} {
    %get3A = arith.constant 0 : index
    %get3A_0 = arith.constant 0 : index
    %get3A_1 = vector.load %arg1[%get3A, %get3A_0] : memref<160x1024xf32, #tpu.memory_space<vmem>>, vector<160x1024xf32>
    %slice3A = vector.extract_strided_slice %get3A_1 {offsets = [0, 0], sizes = [128, 1024], strides = [1, 1]} : vector<160x1024xf32> to vector<128x1024xf32>
    %slice3A_2 = vector.extract_strided_slice %get3A_1 {offsets = [128, 0], sizes = [3, 1024], strides = [1, 1]} : vector<160x1024xf32> to vector<3x1024xf32>
    %get3A_3 = arith.constant 0 : index
    %get3A_4 = arith.constant 0 : index
    %get3A_5 = vector.load %arg2[%get3A_3, %get3A_4] : memref<160x1024xf32, #tpu.memory_space<vmem>>, vector<160x1024xf32>
    %slice3A_6 = vector.extract_strided_slice %get3A_5 {offsets = [0, 0], sizes = [128, 1024], strides = [1, 1]} : vector<160x1024xf32> to vector<128x1024xf32>
    %slice3A_7 = vector.extract_strided_slice %get3A_5 {offsets = [128, 0], sizes = [3, 1024], strides = [1, 1]} : vector<160x1024xf32> to vector<3x1024xf32>
    %slice3A_8 = vector.extract_strided_slice %get3A_5 {offsets = [131, 0], sizes = [1, 1024], strides = [1, 1]} : vector<160x1024xf32> to vector<1x1024xf32>
    %max3A = arith.constant 1.000000e+00 : f32
    %max3A_9 = vector.broadcast %max3A : f32 to vector<1x1024xf32>
    %max3A_10 = arith.maximumf %slice3A_8, %max3A_9 : vector<1x1024xf32>
    %div3A = arith.constant 1.000000e+00 : f32
    %div3A_11 = vector.broadcast %div3A : f32 to vector<1x1024xf32>
    %div3A_12 = arith.divf %div3A_11, %max3A_10 : vector<1x1024xf32>
    %gt3A = arith.constant 0.000000e+00 : f32
    %gt3A_13 = vector.broadcast %gt3A : f32 to vector<1x1024xf32>
    %gt3A_14 = arith.cmpf ogt, %slice3A_8, %gt3A_13 : vector<1x1024xf32>
    %mul3A = vector.broadcast %div3A_12 : vector<1x1024xf32> to vector<128x1024xf32>
    %mul3A_15 = arith.mulf %slice3A_6, %mul3A : vector<128x1024xf32>
    %mul3A_16 = vector.broadcast %div3A_12 : vector<1x1024xf32> to vector<3x1024xf32>
    %mul3A_17 = arith.mulf %slice3A_7, %mul3A_16 : vector<3x1024xf32>
    %sub3A = arith.subf %mul3A_17, %slice3A_2 : vector<3x1024xf32>
    %get3A_18 = arith.constant 0 : index
    %get3A_19 = arith.constant 0 : index
    %get3A_20 = vector.load %arg3[%get3A_18, %get3A_19] : memref<32x3xf32, #tpu.memory_space<vmem>>, vector<32x3xf32>
    %dot_general3A = arith.constant dense<0.000000e+00> : vector<32x1024xf32>
    %dot_general3A_21 = tpu.matmul %get3A_20, %sub3A, %dot_general3A {dimension_numbers = #tpu.dot_dimension_numbers<[1], [0], [0], [1], [0, 0, 1, 1], [], []>, transpose_lhs_hint = false} : vector<32x3xf32>, vector<3x1024xf32>, vector<32x1024xf32> -> vector<32x1024xf32>
    %get3A_22 = arith.constant 0 : index
    %get3A_23 = arith.constant 0 : index
    %get3A_24 = vector.load %arg4[%get3A_22, %get3A_23] : memref<32x1xf32, #tpu.memory_space<vmem>>, vector<32x1xf32>
    %add3A = vector.broadcast %get3A_24 : vector<32x1xf32> to vector<32x1024xf32>
    %add3A_25 = arith.addf %dot_general3A_21, %add3A : vector<32x1024xf32>
    %jit3A = arith.constant 0.000000e+00 : f32
    %broadcast_in_dim3A = vector.shape_cast %gt3A_14 : vector<1x1024xi1> to vector<1x1024xi1>
    %broadcast_in_dim3A_26 = vector.broadcast %broadcast_in_dim3A : vector<1x1024xi1> to vector<32x1024xi1>
    %broadcast_in_dim3A_27 = vector.broadcast %jit3A : f32 to vector<32x1024xf32>
    %select_n3A = arith.select %broadcast_in_dim3A_26, %add3A_25, %broadcast_in_dim3A_27 : vector<32x1024xi1>, vector<32x1024xf32>
    %get3A_28 = arith.constant 0 : index
    %get3A_29 = arith.constant 0 : index
    %get3A_30 = vector.load %arg5[%get3A_28, %get3A_29] : memref<32x32xf32, #tpu.memory_space<vmem>>, vector<32x32xf32>
    %dot_general3A_31 = arith.constant dense<0.000000e+00> : vector<32x1024xf32>
    %dot_general3A_32 = tpu.matmul %get3A_30, %select_n3A, %dot_general3A_31 {dimension_numbers = #tpu.dot_dimension_numbers<[1], [0], [0], [1], [0, 0, 1, 1], [], []>, transpose_lhs_hint = false} : vector<32x32xf32>, vector<32x1024xf32>, vector<32x1024xf32> -> vector<32x1024xf32>
    %get3A_33 = arith.constant 0 : index
    %get3A_34 = arith.constant 0 : index
    %get3A_35 = vector.load %arg6[%get3A_33, %get3A_34] : memref<32x1xf32, #tpu.memory_space<vmem>>, vector<32x1xf32>
    %add3A_36 = vector.broadcast %get3A_35 : vector<32x1xf32> to vector<32x1024xf32>
    %add3A_37 = arith.addf %dot_general3A_32, %add3A_36 : vector<32x1024xf32>
    %get3A_38 = arith.constant 0 : index
    %get3A_39 = arith.constant 0 : index
    %get3A_40 = vector.load %arg7[%get3A_38, %get3A_39] : memref<128x128xf32, #tpu.memory_space<vmem>>, vector<128x128xf32>
    %dot_general3A_41 = arith.constant dense<0.000000e+00> : vector<128x1024xf32>
    %dot_general3A_42 = tpu.matmul %get3A_40, %slice3A, %dot_general3A_41 {dimension_numbers = #tpu.dot_dimension_numbers<[1], [0], [0], [1], [0, 0, 1, 1], [], []>, transpose_lhs_hint = false} : vector<128x128xf32>, vector<128x1024xf32>, vector<128x1024xf32> -> vector<128x1024xf32>
    %get3A_43 = arith.constant 0 : index
    %get3A_44 = arith.constant 0 : index
    %get3A_45 = vector.load %arg8[%get3A_43, %get3A_44] : memref<128x128xf32, #tpu.memory_space<vmem>>, vector<128x128xf32>
    %dot_general3A_46 = arith.constant dense<0.000000e+00> : vector<128x1024xf32>
    %dot_general3A_47 = tpu.matmul %get3A_45, %mul3A_15, %dot_general3A_46 {dimension_numbers = #tpu.dot_dimension_numbers<[1], [0], [0], [1], [0, 0, 1, 1], [], []>, transpose_lhs_hint = false} : vector<128x128xf32>, vector<128x1024xf32>, vector<128x1024xf32> -> vector<128x1024xf32>
    %add3A_48 = arith.addf %dot_general3A_42, %dot_general3A_47 : vector<128x1024xf32>
    %get3A_49 = arith.constant 0 : index
    %get3A_50 = arith.constant 0 : index
    %get3A_51 = vector.load %arg9[%get3A_49, %get3A_50] : memref<128x3xf32, #tpu.memory_space<vmem>>, vector<128x3xf32>
    %dot_general3A_52 = arith.constant dense<0.000000e+00> : vector<128x1024xf32>
    %dot_general3A_53 = tpu.matmul %get3A_51, %sub3A, %dot_general3A_52 {dimension_numbers = #tpu.dot_dimension_numbers<[1], [0], [0], [1], [0, 0, 1, 1], [], []>, transpose_lhs_hint = false} : vector<128x3xf32>, vector<3x1024xf32>, vector<128x1024xf32> -> vector<128x1024xf32>
    %add3A_54 = arith.addf %add3A_48, %dot_general3A_53 : vector<128x1024xf32>
    %get3A_55 = arith.constant 0 : index
    %get3A_56 = arith.constant 0 : index
    %get3A_57 = vector.load %arg10[%get3A_55, %get3A_56] : memref<128x32xf32, #tpu.memory_space<vmem>>, vector<128x32xf32>
    %dot_general3A_58 = arith.constant dense<0.000000e+00> : vector<128x1024xf32>
    %dot_general3A_59 = tpu.matmul %get3A_57, %add3A_37, %dot_general3A_58 {dimension_numbers = #tpu.dot_dimension_numbers<[1], [0], [0], [1], [0, 0, 1, 1], [], []>, transpose_lhs_hint = false} : vector<128x32xf32>, vector<32x1024xf32>, vector<128x1024xf32> -> vector<128x1024xf32>
    %add3A_60 = arith.addf %add3A_54, %dot_general3A_59 : vector<128x1024xf32>
    %get3A_61 = arith.constant 0 : index
    %get3A_62 = arith.constant 0 : index
    %get3A_63 = vector.load %arg11[%get3A_61, %get3A_62] : memref<128x1xf32, #tpu.memory_space<vmem>>, vector<128x1xf32>
    %add3A_64 = vector.broadcast %get3A_63 : vector<128x1xf32> to vector<128x1024xf32>
    %add3A_65 = arith.addf %add3A_60, %add3A_64 : vector<128x1024xf32>
    %jit3A_66 = arith.constant 0.000000e+00 : f32
    %broadcast_in_dim3A_67 = vector.shape_cast %gt3A_14 : vector<1x1024xi1> to vector<1x1024xi1>
    %broadcast_in_dim3A_68 = vector.broadcast %broadcast_in_dim3A_67 : vector<1x1024xi1> to vector<128x1024xi1>
    %broadcast_in_dim3A_69 = vector.broadcast %jit3A_66 : f32 to vector<128x1024xf32>
    %select_n3A_70 = arith.select %broadcast_in_dim3A_68, %add3A_65, %broadcast_in_dim3A_69 : vector<128x1024xi1>, vector<128x1024xf32>
    %get3A_71 = arith.constant 0 : index
    %get3A_72 = arith.constant 0 : index
    %get3A_73 = vector.load %arg12[%get3A_71, %get3A_72] : memref<128x128xf32, #tpu.memory_space<vmem>>, vector<128x128xf32>
    %dot_general3A_74 = arith.constant dense<0.000000e+00> : vector<128x1024xf32>
    %dot_general3A_75 = tpu.matmul %get3A_73, %slice3A, %dot_general3A_74 {dimension_numbers = #tpu.dot_dimension_numbers<[1], [0], [0], [1], [0, 0, 1, 1], [], []>, transpose_lhs_hint = false} : vector<128x128xf32>, vector<128x1024xf32>, vector<128x1024xf32> -> vector<128x1024xf32>
    %get3A_76 = arith.constant 0 : index
    %get3A_77 = arith.constant 0 : index
    %get3A_78 = vector.load %arg13[%get3A_76, %get3A_77] : memref<128x128xf32, #tpu.memory_space<vmem>>, vector<128x128xf32>
    %dot_general3A_79 = arith.constant dense<0.000000e+00> : vector<128x1024xf32>
    %dot_general3A_80 = tpu.matmul %get3A_78, %select_n3A_70, %dot_general3A_79 {dimension_numbers = #tpu.dot_dimension_numbers<[1], [0], [0], [1], [0, 0, 1, 1], [], []>, transpose_lhs_hint = false} : vector<128x128xf32>, vector<128x1024xf32>, vector<128x1024xf32> -> vector<128x1024xf32>
    %add3A_81 = arith.addf %dot_general3A_75, %dot_general3A_80 : vector<128x1024xf32>
    %get3A_82 = arith.constant 0 : index
    %get3A_83 = arith.constant 0 : index
    %get3A_84 = vector.load %arg14[%get3A_82, %get3A_83] : memref<128x1xf32, #tpu.memory_space<vmem>>, vector<128x1xf32>
    %add3A_85 = vector.broadcast %get3A_84 : vector<128x1xf32> to vector<128x1024xf32>
    %add3A_86 = arith.addf %add3A_81, %add3A_85 : vector<128x1024xf32>
    %transpose3A = tpu.transpose %add3A_86, [1, 0] : vector<128x1024xf32> -> vector<1024x128xf32>
    %swap3A = arith.constant 0 : index
    %swap3A_87 = arith.constant 0 : index
    %swap3A_88 = vector.load %arg15[%swap3A, %swap3A_87] : memref<1024x128xf32, #tpu.memory_space<vmem>>, vector<1024x128xf32>
    tpu.vector_store %arg15[%swap3A, %swap3A_87], %transpose3A {strides = array<i32>} : memref<1024x128xf32, #tpu.memory_space<vmem>>, vector<1024x128xf32>,
    return
  }
  func.func @transform_0(%arg0: i32) -> (i32, i32) {
    %c0_i32 = arith.constant 0 : i32
    %c0_i32_0 = arith.constant 0 : i32
    return %c0_i32, %arg0 : i32, i32
  }
  func.func @transform_1(%arg0: i32) -> (i32, i32) {
    %c0_i32 = arith.constant 0 : i32
    %c0_i32_0 = arith.constant 0 : i32
    return %c0_i32, %arg0 : i32, i32
  }
  func.func @transform_2(%arg0: i32) -> (i32, i32) {
    %c0_i32 = arith.constant 0 : i32
    %c0_i32_0 = arith.constant 0 : i32
    %c0_i32_1 = arith.constant 0 : i32
    return %c0_i32, %c0_i32_0 : i32, i32
  }
  func.func @transform_3(%arg0: i32) -> (i32, i32) {
    %c0_i32 = arith.constant 0 : i32
    %c0_i32_0 = arith.constant 0 : i32
    %c0_i32_1 = arith.constant 0 : i32
    return %c0_i32, %c0_i32_0 : i32, i32
  }
  func.func @transform_4(%arg0: i32) -> (i32, i32) {
    %c0_i32 = arith.constant 0 : i32
    %c0_i32_0 = arith.constant 0 : i32
    %c0_i32_1 = arith.constant 0 : i32
    return %c0_i32, %c0_i32_0 : i32, i32
  }
  func.func @transform_5(%arg0: i32) -> (i32, i32) {
    %c0_i32 = arith.constant 0 : i32
    %c0_i32_0 = arith.constant 0 : i32
    %c0_i32_1 = arith.constant 0 : i32
    return %c0_i32, %c0_i32_0 : i32, i32
  }
  func.func @transform_6(%arg0: i32) -> (i32, i32) {
    %c0_i32 = arith.constant 0 : i32
    %c0_i32_0 = arith.constant 0 : i32
    %c0_i32_1 = arith.constant 0 : i32
    return %c0_i32, %c0_i32_0 : i32, i32
  }
  func.func @transform_7(%arg0: i32) -> (i32, i32) {
    %c0_i32 = arith.constant 0 : i32
    %c0_i32_0 = arith.constant 0 : i32
    %c0_i32_1 = arith.constant 0 : i32
    return %c0_i32, %c0_i32_0 : i32, i32
  }
  func.func @transform_8(%arg0: i32) -> (i32, i32) {
    %c0_i32 = arith.constant 0 : i32
    %c0_i32_0 = arith.constant 0 : i32
    %c0_i32_1 = arith.constant 0 : i32
    return %c0_i32, %c0_i32_0 : i32, i32
  }
  func.func @transform_9(%arg0: i32) -> (i32, i32) {
    %c0_i32 = arith.constant 0 : i32
    %c0_i32_0 = arith.constant 0 : i32
    %c0_i32_1 = arith.constant 0 : i32
    return %c0_i32, %c0_i32_0 : i32, i32
  }
  func.func @transform_10(%arg0: i32) -> (i32, i32) {
    %c0_i32 = arith.constant 0 : i32
    %c0_i32_0 = arith.constant 0 : i32
    %c0_i32_1 = arith.constant 0 : i32
    return %c0_i32, %c0_i32_0 : i32, i32
  }
  func.func @transform_11(%arg0: i32) -> (i32, i32) {
    %c0_i32 = arith.constant 0 : i32
    %c0_i32_0 = arith.constant 0 : i32
    %c0_i32_1 = arith.constant 0 : i32
    return %c0_i32, %c0_i32_0 : i32, i32
  }
  func.func @transform_12(%arg0: i32) -> (i32, i32) {
    %c0_i32 = arith.constant 0 : i32
    %c0_i32_0 = arith.constant 0 : i32
    %c0_i32_1 = arith.constant 0 : i32
    return %c0_i32, %c0_i32_0 : i32, i32
  }
  func.func @transform_13(%arg0: i32) -> (i32, i32) {
    %c0_i32 = arith.constant 0 : i32
    %c0_i32_0 = arith.constant 0 : i32
    %c0_i32_1 = arith.constant 0 : i32
    return %c0_i32, %c0_i32_0 : i32, i32
  }
  func.func @transform_14(%arg0: i32) -> (i32, i32) {
    %c0_i32 = arith.constant 0 : i32
    %c0_i32_0 = arith.constant 0 : i32
    return %arg0, %c0_i32 : i32, i32
  }
}

</mosaic_0001>

<sc_bundles>
// kernel: kernel.4.cloned.1.call-start
scs
__scs_entry_jumppad:
0x0: {  	(pc) =	sbr.rel $0x88, $3  }
0x1: {  	(tag) =	ssettag $0x0;
	lr =	simm.s32 $0x1  }
0x2: {  	[smem:$0x3F96] =	sst lr;
	_ =	strace $0xD0000000  }
0x3: {  	_ = 	snop  }
0x4: {  	_ = 	snop  }
0x5: {  	_ = 	snop  }
0x6: {  	_ = 	snop  }
0x7: {  	_ = 	snop  }
__scs_overlays_trampoline_lowered:
0x8: {  	[smem:$0x3FA5] =	sst s0  }
0x9: {  	[smem:$0x3FA6] =	sst s1  }
0xa: {  	[smem:$0x3FA7] =	sst s2  }
0xb: {  	[smem:$0x3FA8] =	sst s3  }
0xc: {  	[smem:$0x3FA9] =	sst s4  }
0xd: {  	[smem:$0x3FAA] =	sst s5  }
0xe: {  	[smem:$0x3FAB] =	sst s6  }
0xf: {  	[smem:$0x3FAC] =	sst s7  }
0x10: {  	[smem:$0x3FAD] =	sst s8  }
0x11: {  	[smem:$0x3FAE] =	sst s9;
	s0 =	simm.s32 @!p0 $0x0  }
0x12: {  	s1 =	sld [smem:$0x3F94];
	s0 =	simm.s32 @p0 $0x1  }
0x13: {  	[smem:$0x3FAF] =	sst s0;
	s0 =	simm.s32 @!p1 $0x0  }
0x14: {  	s2 =	sld [smem:$0x3F93];
	s0 =	simm.s32 @p1 $0x1  }
0x15: {  	[smem:$0x3FB0] =	sst s0;
	s0 =	simm.s32 @!p2 $0x0  }
0x16: {  	s3 =	sld [smem:$0x3FDB];
	s0 =	simm.s32 @p2 $0x1  }
0x17: {  	s4 =	simm.s32 $0x1BF5;
	[smem:$0x3FB2] =	sst s0  }
0x18: {  	s0 =	sld [smem:$0x3F95];
	_ =	swait.ge [sflag:s4], $0x0  }
0x19: {  	s7 =	sld [smem:$0x3F96]  }
0x1a: {  	s8 =	sadd.s32 $0xFFFFE003, lr  }
0x1b: {  	s9 =	sadd.s32 $0xFFFFFEF7, lr;
	s5 =	simm.s32 $0xFFFFFFFF;
	p2 =	slt.u32 s8, $0xFFFFF086  }
0x1c: {  	p1 =	slt.u32 s9, $0xF7A;
	s5 =	simm.s32 @!p2 $0x0  }
0x1d: {  	s5 =	simm.s32 @p1 $0x1;
	p0 =	seq.s32 s7, s2  }
0x1e: {  	s7 =	smul.u32 @!p0 $0xF7A, s2;
	p2 =	seq.s32 @!p0 s5, $0x0  }
0x1f: {  	s9 =	smul.u32 $0xF7A, s1;
	s8 =	simm.s32 @!p0 $0x1BF5;
	p2 =	por !p2, p0  }
0x20: {  	[sflag:s8] =	ssyncset.s32 @!p0 $0xFFFFF086;
	s6 =	sadd.s32 @!p0 s3, s7;
	s7 =	simm.s32 @!p0 $0x108  }
0x21: {  	s3 =	sadd.s32 s3, s9;
	s6 =	sadd.s32 @!p0 $0x88, s6;
	s7 =	simm.s32 @p2 $0x1082  }
0x22: {  	[simem:s7], [sflag:s8] =	dma.local @!p0 [hbm:s6], $0xF7A  }
0x23: {  	s9 =	sor.u32 $0xD0000000, s2;
	s6 =	simm.s32 $0x108;
	_ =	swait.ge @!p0 [sflag:s8], $0x0  }
0x24: {  	s3 =	sadd.s32 $0x88, s3;
	s6 =	simm.s32 @!p1 $0x1082;
	[sflag:s4] =	ssyncset.s32 $0xFFFFF086  }
0x25: {  	[simem:s6], [sflag:s4] =	dma.local [hbm:s3], $0xF7A  }
0x26: {  	[smem:$0x3F96] =	sst s1;
	(tag) =	ssettag s2;
	_ =	strace s9  }
0x27: {  	s1 =	sld [smem:$0x3FA6]  }
0x28: {  	s2 =	sld [smem:$0x3FA7]  }
0x29: {  	s4 =	sld [smem:$0x3FA9]  }
0x2a: {  	p0 =	seq.s32 s5, $0x0;
	s5 =	sld [smem:$0x3FAA]  }
0x2b: {  	s6 =	sld [smem:$0x3FAB]  }
0x2c: {  	s7 =	sld [smem:$0x3FAC]  }
0x2d: {  	s3 =	simm.s32 $0x108;
	s8 =	sld [smem:$0x3FAD]  }
0x2e: {  	s3 =	simm.s32 @!p0 $0x1082;
	s9 =	sld [smem:$0x3FAE]  }
0x2f: {  	lr =	sadd.s32 s0, s3;
	s0 =	sld [smem:$0x3FA5]  }
0x30: {  	s3 =	sld [smem:$0x3FA8]  }
0x31: {  	[smem:$0x3FB1] =	sst s10  }
0x32: {  	s10 =	sld [smem:$0x3FAF];
	_ =	sdelay $0x3  }
0x33: {  	p0 =	seq.s32 s10, $0x1;
	s10 =	sld [smem:$0x3FB1];
	_ =	sdelay $0x3  }
0x34: {  	[smem:$0x3FB1] =	sst s10  }
0x35: {  	s10 =	sld [smem:$0x3FB0];
	_ =	sdelay $0x3  }
0x36: {  	p1 =	seq.s32 s10, $0x1;
	s10 =	sld [smem:$0x3FB1];
	_ =	sdelay $0x3  }
0x37: {  	[smem:$0x3FB1] =	sst s10  }
0x38: {  	s10 =	sld [smem:$0x3FB2]  }
0x39: {  	_ = 	snop;
	(pc) =	sbr.ind lr, $3  }
0x3a: {  	_ = 	snop  }
0x3b: {  	_ = 	snop  }
0x3c: {  	p2 =	seq.s32 s10, $0x1;
	s10 =	sld [smem:$0x3FB1]  }
0x3d: {  	_ =	shalt  }
0x3e: {  	_ =	shalt  }
0x3f: {  	_ =	shalt  }
0x40: {  	_ =	shalt  }
0x41: {  	_ =	shalt  }
0x42: {  	_ =	shalt  }
0x43: {  	_ =	shalt  }
0x44: {  	_ =	shalt  }
0x45: {  	_ =	shalt  }
0x46: {  	_ =	shalt  }
0x47: {  	_ =	shalt  }
0x48: {  	_ =	shalt  }
0x49: {  	_ =	shalt  }
0x4a: {  	_ =	shalt  }
0x4b: {  	_ =	shalt  }
0x4c: {  	_ =	shalt  }
0x4d: {  	_ =	shalt  }
0x4e: {  	_ =	shalt  }
0x4f: {  	_ =	shalt  }
0x50: {  	_ =	shalt  }
0x51: {  	_ =	shalt  }
0x52: {  	_ =	shalt  }
0x53: {  	_ =	shalt  }
0x54: {  	_ =	shalt  }
0x55: {  	_ =	shalt  }
0x56: {  	_ =	shalt  }
0x57: {  	_ =	shalt  }
0x58: {  	_ =	shalt  }
0x59: {  	_ =	shalt  }
0x5a: {  	_ =	shalt  }
0x5b: {  	_ =	shalt  }
0x5c: {  	_ =	shalt  }
0x5d: {  	_ =	shalt  }
0x5e: {  	_ =	shalt  }
0x5f: {  	_ =	shalt  }
0x60: {  	_ =	shalt  }
0x61: {  	_ =	shalt  }
0x62: {  	_ =	shalt  }
0x63: {  	_ =	shalt  }
0x64: {  	_ =	shalt  }
0x65: {  	_ =	shalt  }
0x66: {  	_ =	shalt  }
0x67: {  	_ =	shalt  }
0x68: {  	_ =	shalt  }
0x69: {  	_ =	shalt  }
0x6a: {  	_ =	shalt  }
0x6b: {  	_ =	shalt  }
0x6c: {  	_ =	shalt  }
0x6d: {  	_ =	shalt  }
0x6e: {  	_ =	shalt  }
0x6f: {  	_ =	shalt  }
0x70: {  	_ =	shalt  }
0x71: {  	_ =	shalt  }
0x72: {  	_ =	shalt  }
0x73: {  	_ =	shalt  }
0x74: {  	_ =	shalt  }
0x75: {  	_ =	shalt  }
0x76: {  	_ =	shalt  }
0x77: {  	_ =	shalt  }
0x78: {  	_ =	shalt  }
0x79: {  	_ =	shalt  }
0x7a: {  	_ =	shalt  }
0x7b: {  	_ =	shalt  }
0x7c: {  	_ =	shalt  }
0x7d: {  	_ =	shalt  }
0x7e: {  	_ =	shalt  }
0x7f: {  	_ =	shalt  }
0x80: {  	_ =	shalt  }
0x81: {  	_ =	shalt  }
0x82: {  	_ =	shalt  }
0x83: {  	_ =	shalt  }
0x84: {  	_ =	shalt  }
0x85: {  	_ =	shalt  }
0x86: {  	_ =	shalt  }
0x87: {  	_ =	shalt  }
.Lfunc_end0:
.L_simem_size_0:
called_computation_lowered:
.L_overlay_start_0:
0x88: {  	s2 =	sld [smem:$0x3FD9]  }
0x89: {  	s3 =	sld [smem:$0x3FFE];
	_ =	sdelay $0x1  }
0x8a: {  	s1 =	srdreg.scid  }
0x8b: {  	s0 =	sand.u32 $0x1, s1  }
0x8c: {  	s17 =	sshll.u32 s0, $0xA;
	s2 =	sadd.s32 s3, s2  }
0x8d: {  	s2 =	sadd.s32 s2, s17  }
0x8e: {  	[smem:$0x3FBD] =	sst s2  }
0x8f: {  	_ = 	snop  }
0x90: {  	s2 =	sld [smem:$0x3FD0];
	(tm) =	ssettm $0x1  }
0x91: {  	s18 =	sld [smem:$0x3FFB];
	_ =	sdelay $0x3  }
0x92: {  	_ =	strace s18  }
0x93: {  	s3 =	sld [smem:$0x3FFC];
	_ =	sdelay $0x3  }
0x94: {  	_ =	strace s3  }
0x95: {  	s3 =	sld [smem:$0x3FFD];
	_ =	sdelay $0x3  }
0x96: {  	_ =	strace s3  }
0x97: {  	_ =	strace $0x8FFFFFFF  }
0x98: {  	s19 =	sld [smem:$0x3FDB];
	_ =	sdelay $0x1  }
0x99: {  	s4 =	simm.s32 $_scs_section_size  }
0x9a: {  	s5 =	simm.s32 $_size__tile_overlayer_lowered;
	s6 =	simm.s32 $_tile_overlayer_lowered  }
0x9b: {  	s22 =	simm.s32 $0x1BFF;
	s21 =	sshll.u32 s6, $0x1;
	s3 =	sadd.s32 s4, s19  }
0x9c: {  	s7 =	simm.s32 $0x0;
	s20 =	sshll.u32 s5, $0x1;
	s5 =	sadd.s32 s21, s3  }
0x9d: {  	[timem:s7], [sflag:s22] =	dma.local [hbm:s5], s20  }
0x9e: {  	_ =	swait.ge [sflag:s22], s20  }
0x9f: {  	s4 =	ssub.s32 $0x0, s20;
	[sflag:s22] =	ssyncset.done $0x0  }
0xa0: {  	[sflag:s22] =	ssyncadd.s32 s4;
	_ =	sdelay $0x1  }
0xa1: {  	s23 =	simm.s32 $0x1B8B  }
0xa2: {  	_ =	swait.ge [sflag:s23], $0x1  }
0xa3: {  	[sflag:s23] =	ssyncset.done $0x0  }
0xa4: {  	s25 =	simm.s32 $0x1B8E;
	s24 =	sld [smem:$0x3FFE];
	[sflag:s23] =	ssyncadd.s32 $0xFFFFFFFF  }
0xa5: {  	s26 =	simm.s32 $execute0_lowered;
	[smem:$0x3FD2] =	sst s25  }
0xa6: {  	s5 =	sshll.u32 s26, $0x1;
	_ =	strace $0x80000046;
	[dreg:$0x1] =	wrdreg $0xFFFFFFFF  }
0xa7: {  	s28 =	simm.s32 $_size_execute0_lowered;
	s3 =	sadd.s32 s3, s5;
	[dreg:$0x0] =	wrdreg $0x0  }
0xa8: {  	s5 =	sshll.u32 s28, $0x1;
	[dreg:$0x2] =	wrdreg s3  }
0xa9: {  	[dreg:$0x3] =	wrdreg s5  }
0xaa: {  	[dreg:$0x4] =	wrdreg $0xC0  }
0xab: {  	_ =	task [dreg:s7], $0x5FFFF  }
0xac: {  	[dreg:$0x1] =	wrdreg $0xFFFFFFFF  }
0xad: {  	[dreg:$0x0] =	wrdreg $0x60  }
0xae: {  	[dreg:$0x2] =	wrdreg s24  }
0xaf: {  	[dreg:$0x3] =	wrdreg s2  }
0xb0: {  	[dreg:$0x4] =	wrdreg $0x9  }
0xb1: {  	_ =	task.clear_ibuf [dreg:s7], $0x5FFFF;
	_ =	strace $0x90000046  }
0xb2: {  	s29 =	simm.s32 $0x9;
	_ =	strace $0x80000048  }
0xb3: {  	_ =	swait.ge [sflag:s29], $0x1  }
0xb4: {  	[sflag:s29] =	ssyncadd.s32 $0xFFFFFFFF  }
0xb5: {  	_ =	strace $0x90000048  }
0xb6: {  	_ =	sfence  }
0xb7: {  	s30 =	sld [smem:$0x0];
	_ =	sdelay $0x2  }
0xb8: {  	s31 =	sshll.u32 s1, $0xD;
	s1 =	sshrl.u32 s1, $0x2  }
0xb9: {  	s3 =	sand.u32 $0x4000, s31;
	s1 =	sadd.s32 s1, s30  }
0xba: {  	s0 =	sor.u32 s3, s0;
	s1 =	sshll.u32 s1, $0x11  }
0xbb: {  	s0 =	sor.u32 s1, s0  }
0xbc: {  	s0 =	sadd.s32 $0x8F2B, s0  }
0xbd: {  	[sflag:s0] =	ssyncadd.remote.s32 $0x1  }
0xbe: {  	_ =	sfence.sel $0xFFFF  }
0xbf: {  	[dreg:$0x0] =	wrdreg $0xFFFFFFFF;
	(pc) =	sbr.abs _section_cstart, $3  }
0xc0: {  	[dreg:$0x1] =	wrdreg $0xFFFFFFFF  }
0xc1: {  	_ =	task.clear_ibuf [dreg:s7], $0x2FFFF;
	_ =	strace $0x9FFFFFFF  }
0xc2: {  	(tm) =	ssettm $0x7FFFFFFF  }
0xc3: {  	_ =	shalt  }
tec
execute0_lowered:
.L_overlay_start_1:
0x0: {  	(tag) =	ssettag $0x1  }
0x1: {  	s7 =	rddreg [dreg:$0x0]  }
0x2: {  	s0 =	srdreg.scid;
	s2 =	rddreg [dreg:$0x1]  }
0x3: {  	s1 =	stileid.u32;
	s3 =	simm.s32 $0x0;
	s11 =	simm.s32 $0xC350  }
0x4: {  	s12 =	simm.s32 $0xD350;
	s13 =	simm.s32 $0xCB50;
	s14 =	simm.s32 $0xDB50  }
0x5: {  	s15 =	simm.s32 $0x1;
	s16 =	simm.s32 $0x3;
	s4 =	sand.u32 $0x1, s0  }
0x6: {  	s17 =	simm.s32 $0xE350;
	s18 =	simm.s32 $0x2;
	s5 =	sshll.u32 s4, $0x4  }
0x7: {  	s19 =	simm.s32 $0x4;
	s20 =	simm.s32 $0x0;
	s5 =	sor.u32 s1, s5  }
0x8: {  	s0 =	rddreg [dreg:$0x2];
	s8 =	ssub.s32 $0x2, s4;
	s6 =	smul.u32 $0x186A, s5  }
.Ltmp0:
0x9: {  	[smem:$0x7FF] =	sst s3;
	s9 =	sshrl.u32 s8, $0x1;
	(pc) =	sbr.rel .LBB2_1-.Ltmp0, $4  }
0xa: {  	_ =	strace $0x80000047;
	s5 =	smul.u32 $0x1900, s5;
	s9 =	ssub.s32 s8, s9  }
0xb: {  	s4 =	sadd.s32 $0x32600, s7;
	s9 =	smax.u32 s9, $0x1;
	s6 =	sadd.s32 s6, s7  }
0xc: {  	s10 =	sadd.s32 s5, s7;
	s7 =	sadd.s32 $0x32700, s7;
	s5 =	sadd.s32 $0x1800, s6  }
0xd: {  	v0 =	vimm.f32 $0.0e+00;
	s6 =	sadd.s32 $0x100, s2;
	s8 =	sadd.s32 $0x3C600, s10;
	s10 =	simm.s32 $0x5  }
.LBB2_10:
0xe: {  	s20 =	sadd.s32 $0x1, s20  }
0xf: {  	p0 =	sne.s32 s20, s9  }
.Ltmp1:
0x10: {  	_ = 	snop;
	(pc) =	sbr.rel @!p0 .LBB2_11-.Ltmp1, $4  }
0x11: {  	[hbm4b:s8+s3] =	stream.linear.scatter [tilespmem:s17], [sflag:$0x5], $0xC800, $0x38;
	[tilespmem:$0x1AB50] =	vst v63  }
0x12: {  	_ =	swait.ge [sflag:s10], $0xC800  }
0x13: {  	[sflag:s10] =	ssyncset.done $0x0  }
0x14: {  	[sflag:s10] =	ssyncadd.s32 $0xFFFF3800  }
.LBB2_1:
0x15: {  	[tilespmem:s3], [sflag:$0x5] =	stream.linear.gather [hbm4b:s5+s3], $0xC350, $0x38;
	[tilespmem:$0x1AB50] =	vst v63  }
0x16: {  	_ =	swait.ge [sflag:s10], $0xC350  }
0x17: {  	[sflag:s10] =	ssyncset.done $0x0  }
0x18: {  	s22 =	simm.s32 $0x40;
	s21 =	simm.s32 $0x0;
	[sflag:s10] =	ssyncadd.s32 $0xFFFF3CB0  }
.LBB2_2:
0x19: {  	p0 =	sne.s32 s22, $0x9FC0;
	[tilespmem:s21+$0x18350] =	vst v0;
	s23 =	smov.u32 s22;
	s22 =	sadd.s32 $0x40, s22  }
.Ltmp2:
0x1a: {  	[tilespmem:s21+$0x15B50] =	vst v0;
	(pc) =	sbr.rel @p0 .LBB2_2-.Ltmp2, $4  }
0x1b: {  	[tilespmem:s21+$0x13350] =	vst v0  }
0x1c: {  	[tilespmem:s21+$0xE350] =	vst v0  }
0x1d: {  	[tilespmem:s21+$0x10B50] =	vst v0  }
0x1e: {  	s21 =	sshra.s32 s23, $0x2  }
0x1f: {  	[tilespmem:s21+$0x18350] =	vst v0  }
0x20: {  	[tilespmem:s21+$0x15B50] =	vst v0  }
0x21: {  	[tilespmem:s21+$0x13350] =	vst v0  }
0x22: {  	[tilespmem:s21+$0xE350] =	vst v0  }
0x23: {  	[tilespmem:s21+$0x10B50] =	vst v0;
	s21 =	simm.s32 $0x0  }
0x24: {  	[tilespmem:s11], [sflag:$0x1] =	stream.linear.gather [hbm4b:s2+s21], $0x800, $0x38;
	[tilespmem:$0x1AB50] =	vst v63  }
0x25: {  	_ = 	snop  }
0x26: {  	[tilespmem:s12], [sflag:$0x3] =	stream.linear.gather [hbm4b:s4+s21], $0x800, $0x38;
	[tilespmem:$0x1AB50] =	vst v63  }
0x27: {  	_ = 	snop  }
0x28: {  	[tilespmem:s13], [sflag:$0x2] =	stream.linear.gather [hbm4b:s6+s21], $0x800, $0x38;
	[tilespmem:$0x1AB50] =	vst v63  }
0x29: {  	_ = 	snop  }
0x2a: {  	[tilespmem:s14], [sflag:$0x4] =	stream.linear.gather [hbm4b:s7+s21], $0x800, $0x38;
	[tilespmem:$0x1AB50] =	vst v63  }
.LBB2_4:
0x2b: {  	_ =	swait.ge [sflag:s15], $0x800  }
0x2c: {  	[sflag:s15] =	ssyncset.done $0x0  }
0x2d: {  	[sflag:s15] =	ssyncadd.s32 $0xFFFFF800  }
0x2e: {  	_ =	swait.ge [sflag:s16], $0x800  }
0x2f: {  	[sflag:s16] =	ssyncset.done $0x0  }
0x30: {  	s22 =	simm.s32 $0x0;
	[sflag:s16] =	ssyncadd.s32 $0xFFFFF800  }
0x31: {  	v3 =	vld [tilespmem:s22+$0xD350]  }
0x32: {  	v7 =	vld [tilespmem:s22+$0xD360]  }
0x33: {  	v8 =	vld [tilespmem:s22+$0xD370]  }
0x34: {  	v9 =	vld [tilespmem:s22+$0xD380]  }
0x35: {  	v21 =	vld [tilespmem:s22+$0xC350]  }
0x36: {  	v4 =	vld [tilespmem:s22+$0xC360]  }
0x37: {  	v2 =	vld [tilespmem:s22+$0xC370]  }
0x38: {  	v1 =	vld [tilespmem:s22+$0xC380];
	v10 =	vadd.s32 $0x2710, v3  }
0x39: {  	v11 =	vadd.s32 $0x4E20, v3;
	v22 =	vld.idx.msk [tilespmem:v3+s3+$0x0], $0xffff  }
0x3a: {  	v12 =	vadd.s32 $0x7530, v3;
	v6 =	vld.idx.msk [tilespmem:v7+s3+$0x0], $0xffff  }
0x3b: {  	v13 =	vadd.s32 $0x9C40, v3;
	v5 =	vld.idx.msk [tilespmem:v8+s3+$0x0], $0xffff  }
0x3c: {  	v14 =	vadd.s32 $0x2710, v7;
	v3 =	vld.idx.msk [tilespmem:v9+s3+$0x0], $0xffff  }
0x3d: {  	v24 =	vld.idx.msk [tilespmem:v10+s3+$0x0], $0xffff;
	v10 =	vadd.s32 $0x4E20, v7  }
0x3e: {  	v25 =	vld.idx.msk [tilespmem:v11+s3+$0x0], $0xffff;
	v11 =	vadd.s32 $0x7530, v7  }
0x3f: {  	v19 =	vld.idx.msk [tilespmem:v12+s3+$0x0], $0xffff;
	v7 =	vadd.s32 $0x9C40, v7  }
0x40: {  	v20 =	vld.idx.msk [tilespmem:v13+s3+$0x0], $0xffff;
	v12 =	vadd.s32 $0x2710, v8  }
0x41: {  	v15 =	vld.idx.msk [tilespmem:v14+s3+$0x0], $0xffff;
	v13 =	vadd.s32 $0x4E20, v8  }
0x42: {  	v23 =	vadd.s32 $0x4E20, v9;
	v16 =	vld.idx.msk [tilespmem:v10+s3+$0x0], $0xffff  }
0x43: {  	v10 =	vadd.s32 $0x7530, v8;
	v17 =	vld.idx.msk [tilespmem:v11+s3+$0x0], $0xffff  }
0x44: {  	v8 =	vadd.s32 $0x9C40, v8;
	v18 =	vld.idx.msk [tilespmem:v7+s3+$0x0], $0xffff  }
0x45: {  	v7 =	vadd.s32 $0x2710, v9;
	v11 =	vld.idx.msk [tilespmem:v12+s3+$0x0], $0xffff  }
0x46: {  	v26 =	vadd.s32 $0x7530, v9;
	v12 =	vld.idx.msk [tilespmem:v13+s3+$0x0], $0xffff  }
0x47: {  	v27 =	vadd.s32 $0x9C40, v9;
	v9 =	vld.idx.msk [tilespmem:v23+s3+$0x0], $0xffff  }
0x48: {  	v13 =	vld.idx.msk [tilespmem:v10+s3+$0x0], $0xffff  }
0x49: {  	v28 =	vadd.s32 $0x2800, v21;
	v14 =	vld.idx.msk [tilespmem:v8+s3+$0x0], $0xffff  }
0x4a: {  	v7 =	vld.idx.msk [tilespmem:v7+s3+$0x0], $0xffff  }
0x4b: {  	v10 =	vld.idx.msk [tilespmem:v26+s3+$0x0], $0xffff  }
0x4c: {  	v29 =	vadd.s32 $0x5000, v21;
	v8 =	vld.idx.msk [tilespmem:v27+s3+$0x0], $0xffff  }
0x4d: {  	v23 =	vadd.s32 $0x7800, v21;
	[tilespmem:v21+s17+$0x0] =	vst.idx.add.f32.msk $0xffff, v22  }
0x4e: {  	[tilespmem:v28+s17+$0x0] =	vst.idx.add.f32.msk $0xffff, v24;
	v24 =	vadd.s32 $0xA000, v21;
	_ =	sdelay $0x1  }
0x4f: {  	v21 =	vadd.s32 $0x2800, v4  }
0x50: {  	s22 =	simm.s32 $0x100;
	v22 =	vadd.s32 $0x5000, v4;
	[tilespmem:v29+s17+$0x0] =	vst.idx.add.f32.msk $0xffff, v25  }
.LBB2_5:
0x51: {  	p0 =	sne.s32 s22, $0x1F00;
	[tilespmem:v23+s17+$0x0] =	vst.idx.add.f32.msk $0xffff, v19;
	v19 =	vadd.s32 $0x7800, v4  }
0x52: {  	[tilespmem:v24+s17+$0x0] =	vst.idx.add.f32.msk $0xffff, v20;
	v20 =	vadd.s32 $0xA000, v4  }
0x53: {  	[tilespmem:v4+s17+$0x0] =	vst.idx.add.f32.msk $0xffff, v6  }
0x54: {  	v4 =	vadd.s32 $0x2800, v2;
	[tilespmem:v21+s17+$0x0] =	vst.idx.add.f32.msk $0xffff, v15  }
0x55: {  	v6 =	vadd.s32 $0x5000, v2;
	[tilespmem:v22+s17+$0x0] =	vst.idx.add.f32.msk $0xffff, v16  }
0x56: {  	v15 =	vadd.s32 $0x7800, v2;
	[tilespmem:v19+s17+$0x0] =	vst.idx.add.f32.msk $0xffff, v17  }
0x57: {  	v16 =	vadd.s32 $0xA000, v2;
	[tilespmem:v20+s17+$0x0] =	vst.idx.add.f32.msk $0xffff, v18  }
0x58: {  	[tilespmem:v2+s17+$0x0] =	vst.idx.add.f32.msk $0xffff, v5  }
0x59: {  	v2 =	vadd.s32 $0x2800, v1;
	[tilespmem:v4+s17+$0x0] =	vst.idx.add.f32.msk $0xffff, v11  }
0x5a: {  	v4 =	vadd.s32 $0x5000, v1;
	[tilespmem:v6+s17+$0x0] =	vst.idx.add.f32.msk $0xffff, v12  }
0x5b: {  	v5 =	vadd.s32 $0x7800, v1;
	[tilespmem:v15+s17+$0x0] =	vst.idx.add.f32.msk $0xffff, v13  }
0x5c: {  	v6 =	vadd.s32 $0xA000, v1;
	[tilespmem:v16+s17+$0x0] =	vst.idx.add.f32.msk $0xffff, v14  }
0x5d: {  	[tilespmem:v1+s17+$0x0] =	vst.idx.add.f32.msk $0xffff, v3  }
0x5e: {  	[tilespmem:v2+s17+$0x0] =	vst.idx.add.f32.msk $0xffff, v7  }
0x5f: {  	[tilespmem:v4+s17+$0x0] =	vst.idx.add.f32.msk $0xffff, v9  }
0x60: {  	[tilespmem:v5+s17+$0x0] =	vst.idx.add.f32.msk $0xffff, v10  }
0x61: {  	s23 =	sshra.s32 s22, $0x2;
	[tilespmem:v6+s17+$0x0] =	vst.idx.add.f32.msk $0xffff, v8  }
0x62: {  	v3 =	vld [tilespmem:s23+$0xD350]  }
0x63: {  	v7 =	vld [tilespmem:s23+$0xD360]  }
0x64: {  	v8 =	vld [tilespmem:s23+$0xD370]  }
0x65: {  	v9 =	vld [tilespmem:s23+$0xD380]  }
0x66: {  	v21 =	vld [tilespmem:s23+$0xC350]  }
0x67: {  	v4 =	vld [tilespmem:s23+$0xC360]  }
0x68: {  	v2 =	vld [tilespmem:s23+$0xC370]  }
0x69: {  	v10 =	vadd.s32 $0x2710, v3;
	v1 =	vld [tilespmem:s23+$0xC380]  }
0x6a: {  	v11 =	vadd.s32 $0x4E20, v3;
	v22 =	vld.idx.msk [tilespmem:v3+s3+$0x0], $0xffff  }
0x6b: {  	v12 =	vadd.s32 $0x7530, v3;
	v6 =	vld.idx.msk [tilespmem:v7+s3+$0x0], $0xffff  }
0x6c: {  	v13 =	vadd.s32 $0x9C40, v3;
	v5 =	vld.idx.msk [tilespmem:v8+s3+$0x0], $0xffff  }
0x6d: {  	v14 =	vadd.s32 $0x2710, v7;
	v3 =	vld.idx.msk [tilespmem:v9+s3+$0x0], $0xffff  }
0x6e: {  	v25 =	vld.idx.msk [tilespmem:v10+s3+$0x0], $0xffff;
	v10 =	vadd.s32 $0x4E20, v7  }
0x6f: {  	v26 =	vld.idx.msk [tilespmem:v11+s3+$0x0], $0xffff;
	v11 =	vadd.s32 $0x7530, v7  }
0x70: {  	v7 =	vadd.s32 $0x9C40, v7;
	v19 =	vld.idx.msk [tilespmem:v12+s3+$0x0], $0xffff  }
0x71: {  	v12 =	vadd.s32 $0x2710, v8;
	v20 =	vld.idx.msk [tilespmem:v13+s3+$0x0], $0xffff  }
0x72: {  	v13 =	vadd.s32 $0x4E20, v8;
	v15 =	vld.idx.msk [tilespmem:v14+s3+$0x0], $0xffff  }
0x73: {  	v16 =	vld.idx.msk [tilespmem:v10+s3+$0x0], $0xffff;
	v10 =	vadd.s32 $0x7530, v8  }
0x74: {  	v8 =	vadd.s32 $0x9C40, v8;
	v17 =	vld.idx.msk [tilespmem:v11+s3+$0x0], $0xffff  }
0x75: {  	v18 =	vld.idx.msk [tilespmem:v7+s3+$0x0], $0xffff;
	v7 =	vadd.s32 $0x2710, v9  }
0x76: {  	v23 =	vadd.s32 $0x4E20, v9;
	v11 =	vld.idx.msk [tilespmem:v12+s3+$0x0], $0xffff  }
0x77: {  	v24 =	vadd.s32 $0x7530, v9;
	v12 =	vld.idx.msk [tilespmem:v13+s3+$0x0], $0xffff  }
0x78: {  	v27 =	vadd.s32 $0x9C40, v9;
	v13 =	vld.idx.msk [tilespmem:v10+s3+$0x0], $0xffff  }
0x79: {  	v14 =	vld.idx.msk [tilespmem:v8+s3+$0x0], $0xffff  }
0x7a: {  	v28 =	vadd.s32 $0x2800, v21;
	v7 =	vld.idx.msk [tilespmem:v7+s3+$0x0], $0xffff  }
0x7b: {  	v29 =	vadd.s32 $0x5000, v21;
	v9 =	vld.idx.msk [tilespmem:v23+s3+$0x0], $0xffff  }
.Ltmp3:
0x7c: {  	v23 =	vadd.s32 $0x7800, v21;
	v10 =	vld.idx.msk [tilespmem:v24+s3+$0x0], $0xffff;
	(pc) =	sbr.rel @p0 .LBB2_5-.Ltmp3, $4  }
0x7d: {  	v24 =	vadd.s32 $0xA000, v21;
	v8 =	vld.idx.msk [tilespmem:v27+s3+$0x0], $0xffff  }
0x7e: {  	[tilespmem:v21+s17+$0x0] =	vst.idx.add.f32.msk $0xffff, v22  }
0x7f: {  	v21 =	vadd.s32 $0x2800, v4;
	[tilespmem:v28+s17+$0x0] =	vst.idx.add.f32.msk $0xffff, v25  }
0x80: {  	s22 =	sadd.s32 $0x100, s22;
	v22 =	vadd.s32 $0x5000, v4;
	[tilespmem:v29+s17+$0x0] =	vst.idx.add.f32.msk $0xffff, v26  }
0x81: {  	_ =	sdelay $0x3  }
0x82: {  	[tilespmem:v23+s17+$0x0] =	vst.idx.add.f32.msk $0xffff, v19;
	v19 =	vadd.s32 $0x7800, v4  }
0x83: {  	[tilespmem:v24+s17+$0x0] =	vst.idx.add.f32.msk $0xffff, v20;
	v20 =	vadd.s32 $0xA000, v4  }
0x84: {  	[tilespmem:v4+s17+$0x0] =	vst.idx.add.f32.msk $0xffff, v6  }
0x85: {  	v4 =	vadd.s32 $0x2800, v2;
	[tilespmem:v21+s17+$0x0] =	vst.idx.add.f32.msk $0xffff, v15  }
0x86: {  	v6 =	vadd.s32 $0x5000, v2;
	[tilespmem:v22+s17+$0x0] =	vst.idx.add.f32.msk $0xffff, v16  }
0x87: {  	v15 =	vadd.s32 $0x7800, v2;
	[tilespmem:v19+s17+$0x0] =	vst.idx.add.f32.msk $0xffff, v17  }
0x88: {  	v16 =	vadd.s32 $0xA000, v2;
	[tilespmem:v20+s17+$0x0] =	vst.idx.add.f32.msk $0xffff, v18  }
0x89: {  	[tilespmem:v2+s17+$0x0] =	vst.idx.add.f32.msk $0xffff, v5  }
0x8a: {  	v2 =	vadd.s32 $0x2800, v1;
	[tilespmem:v4+s17+$0x0] =	vst.idx.add.f32.msk $0xffff, v11  }
0x8b: {  	v4 =	vadd.s32 $0x5000, v1;
	[tilespmem:v6+s17+$0x0] =	vst.idx.add.f32.msk $0xffff, v12  }
0x8c: {  	v5 =	vadd.s32 $0x7800, v1;
	[tilespmem:v15+s17+$0x0] =	vst.idx.add.f32.msk $0xffff, v13  }
0x8d: {  	v6 =	vadd.s32 $0xA000, v1;
	[tilespmem:v16+s17+$0x0] =	vst.idx.add.f32.msk $0xffff, v14  }
0x8e: {  	[tilespmem:v1+s17+$0x0] =	vst.idx.add.f32.msk $0xffff, v3  }
0x8f: {  	[tilespmem:v2+s17+$0x0] =	vst.idx.add.f32.msk $0xffff, v7  }
0x90: {  	s22 =	sshll.u32 s21, $0x9;
	p0 =	seq.s32 s21, $0x4F;
	[tilespmem:v4+s17+$0x0] =	vst.idx.add.f32.msk $0xffff, v9  }
0x91: {  	s23 =	sadd.s32 @!p0 $0x200, s22;
	[tilespmem:v5+s17+$0x0] =	vst.idx.add.f32.msk $0xffff, v10  }
0x92: {  	s25 =	simm.s32 @!p0 $0x0;
	s26 =	simm.s32 @!p0 $0xC350;
	s24 =	sadd.s32 @!p0 s2, s23;
	[tilespmem:v6+s17+$0x0] =	vst.idx.add.f32.msk $0xffff, v8  }
0x93: {  	[tilespmem:s26], [sflag:$0x1] =	stream.linear.gather @!p0 [hbm4b:s24+s25], $0x800, $0x38;
	[tilespmem:$0x1AB50] =	vst v63  }
0x94: {  	s23 =	sadd.s32 @!p0 s4, s23;
	s24 =	simm.s32 @!p0 $0xD350  }
0x95: {  	[tilespmem:s24], [sflag:$0x3] =	stream.linear.gather @!p0 [hbm4b:s23+s25], $0x800, $0x38;
	[tilespmem:$0x1AB50] =	vst v63  }
0x96: {  	_ =	swait.ge [sflag:s18], $0x800  }
0x97: {  	[sflag:s18] =	ssyncset.done $0x0  }
0x98: {  	[sflag:s18] =	ssyncadd.s32 $0xFFFFF800  }
0x99: {  	_ =	swait.ge [sflag:s19], $0x800  }
0x9a: {  	[sflag:s19] =	ssyncset.done $0x0  }
0x9b: {  	s31 =	simm.s32 $0x0;
	[sflag:s19] =	ssyncadd.s32 $0xFFFFF800  }
0x9c: {  	v3 =	vld [tilespmem:s31+$0xDB50]  }
0x9d: {  	v7 =	vld [tilespmem:s31+$0xDB60]  }
0x9e: {  	v8 =	vld [tilespmem:s31+$0xDB70]  }
0x9f: {  	v9 =	vld [tilespmem:s31+$0xDB80]  }
0xa0: {  	v21 =	vld [tilespmem:s31+$0xCB50]  }
0xa1: {  	v4 =	vld [tilespmem:s31+$0xCB60]  }
0xa2: {  	v2 =	vld [tilespmem:s31+$0xCB70]  }
0xa3: {  	v1 =	vld [tilespmem:s31+$0xCB80];
	v10 =	vadd.s32 $0x2710, v3  }
0xa4: {  	v11 =	vadd.s32 $0x4E20, v3;
	v22 =	vld.idx.msk [tilespmem:v3+s3+$0x0], $0xffff  }
0xa5: {  	v12 =	vadd.s32 $0x7530, v3;
	v6 =	vld.idx.msk [tilespmem:v7+s3+$0x0], $0xffff  }
0xa6: {  	v13 =	vadd.s32 $0x9C40, v3;
	v5 =	vld.idx.msk [tilespmem:v8+s3+$0x0], $0xffff  }
0xa7: {  	v14 =	vadd.s32 $0x2710, v7;
	v3 =	vld.idx.msk [tilespmem:v9+s3+$0x0], $0xffff  }
0xa8: {  	v24 =	vld.idx.msk [tilespmem:v10+s3+$0x0], $0xffff;
	v10 =	vadd.s32 $0x4E20, v7  }
0xa9: {  	v25 =	vld.idx.msk [tilespmem:v11+s3+$0x0], $0xffff;
	v11 =	vadd.s32 $0x7530, v7  }
0xaa: {  	v19 =	vld.idx.msk [tilespmem:v12+s3+$0x0], $0xffff;
	v7 =	vadd.s32 $0x9C40, v7  }
0xab: {  	v20 =	vld.idx.msk [tilespmem:v13+s3+$0x0], $0xffff;
	v12 =	vadd.s32 $0x2710, v8  }
0xac: {  	v15 =	vld.idx.msk [tilespmem:v14+s3+$0x0], $0xffff;
	v13 =	vadd.s32 $0x4E20, v8  }
0xad: {  	v16 =	vld.idx.msk [tilespmem:v10+s3+$0x0], $0xffff;
	v10 =	vadd.s32 $0x7530, v8  }
0xae: {  	v17 =	vld.idx.msk [tilespmem:v11+s3+$0x0], $0xffff;
	v8 =	vadd.s32 $0x9C40, v8  }
0xaf: {  	v18 =	vld.idx.msk [tilespmem:v7+s3+$0x0], $0xffff;
	v7 =	vadd.s32 $0x2710, v9  }
0xb0: {  	v23 =	vadd.s32 $0x4E20, v9;
	v11 =	vld.idx.msk [tilespmem:v12+s3+$0x0], $0xffff  }
0xb1: {  	v26 =	vadd.s32 $0x7530, v9;
	v12 =	vld.idx.msk [tilespmem:v13+s3+$0x0], $0xffff  }
0xb2: {  	v13 =	vld.idx.msk [tilespmem:v10+s3+$0x0], $0xffff;
	v10 =	vadd.s32 $0x9C40, v9  }
0xb3: {  	v14 =	vld.idx.msk [tilespmem:v8+s3+$0x0], $0xffff  }
0xb4: {  	v27 =	vadd.s32 $0x2800, v21;
	v7 =	vld.idx.msk [tilespmem:v7+s3+$0x0], $0xffff  }
0xb5: {  	v8 =	vld.idx.msk [tilespmem:v23+s3+$0x0], $0xffff  }
0xb6: {  	v9 =	vld.idx.msk [tilespmem:v26+s3+$0x0], $0xffff  }
0xb7: {  	v28 =	vadd.s32 $0x5000, v21;
	v10 =	vld.idx.msk [tilespmem:v10+s3+$0x0], $0xffff  }
0xb8: {  	v23 =	vadd.s32 $0x7800, v21;
	[tilespmem:v21+s17+$0x0] =	vst.idx.add.f32.msk $0xffff, v22  }
0xb9: {  	[tilespmem:v27+s17+$0x0] =	vst.idx.add.f32.msk $0xffff, v24;
	v24 =	vadd.s32 $0xA000, v21;
	_ =	sdelay $0x1  }
0xba: {  	v21 =	vadd.s32 $0x2800, v4  }
0xbb: {  	s23 =	simm.s32 $0x100;
	v22 =	vadd.s32 $0x5000, v4;
	[tilespmem:v28+s17+$0x0] =	vst.idx.add.f32.msk $0xffff, v25  }
.LBB2_7:
0xbc: {  	p1 =	sne.s32 s23, $0x1F00;
	[tilespmem:v23+s17+$0x0] =	vst.idx.add.f32.msk $0xffff, v19;
	v19 =	vadd.s32 $0x7800, v4  }
0xbd: {  	[tilespmem:v24+s17+$0x0] =	vst.idx.add.f32.msk $0xffff, v20;
	v20 =	vadd.s32 $0xA000, v4  }
0xbe: {  	[tilespmem:v4+s17+$0x0] =	vst.idx.add.f32.msk $0xffff, v6  }
0xbf: {  	v4 =	vadd.s32 $0x2800, v2;
	[tilespmem:v21+s17+$0x0] =	vst.idx.add.f32.msk $0xffff, v15  }
0xc0: {  	v6 =	vadd.s32 $0x5000, v2;
	[tilespmem:v22+s17+$0x0] =	vst.idx.add.f32.msk $0xffff, v16  }
0xc1: {  	v15 =	vadd.s32 $0x7800, v2;
	[tilespmem:v19+s17+$0x0] =	vst.idx.add.f32.msk $0xffff, v17  }
0xc2: {  	v16 =	vadd.s32 $0xA000, v2;
	[tilespmem:v20+s17+$0x0] =	vst.idx.add.f32.msk $0xffff, v18  }
0xc3: {  	[tilespmem:v2+s17+$0x0] =	vst.idx.add.f32.msk $0xffff, v5  }
0xc4: {  	v2 =	vadd.s32 $0x2800, v1;
	[tilespmem:v4+s17+$0x0] =	vst.idx.add.f32.msk $0xffff, v11  }
0xc5: {  	v4 =	vadd.s32 $0x5000, v1;
	[tilespmem:v6+s17+$0x0] =	vst.idx.add.f32.msk $0xffff, v12  }
0xc6: {  	v5 =	vadd.s32 $0x7800, v1;
	[tilespmem:v15+s17+$0x0] =	vst.idx.add.f32.msk $0xffff, v13  }
0xc7: {  	v6 =	vadd.s32 $0xA000, v1;
	[tilespmem:v16+s17+$0x0] =	vst.idx.add.f32.msk $0xffff, v14  }
0xc8: {  	[tilespmem:v1+s17+$0x0] =	vst.idx.add.f32.msk $0xffff, v3  }
0xc9: {  	[tilespmem:v2+s17+$0x0] =	vst.idx.add.f32.msk $0xffff, v7  }
0xca: {  	[tilespmem:v4+s17+$0x0] =	vst.idx.add.f32.msk $0xffff, v8  }
0xcb: {  	[tilespmem:v5+s17+$0x0] =	vst.idx.add.f32.msk $0xffff, v9  }
0xcc: {  	s24 =	sshra.s32 s23, $0x2;
	[tilespmem:v6+s17+$0x0] =	vst.idx.add.f32.msk $0xffff, v10  }
0xcd: {  	v3 =	vld [tilespmem:s24+$0xDB50]  }
0xce: {  	v7 =	vld [tilespmem:s24+$0xDB60]  }
0xcf: {  	v8 =	vld [tilespmem:s24+$0xDB70]  }
0xd0: {  	v9 =	vld [tilespmem:s24+$0xDB80]  }
0xd1: {  	v21 =	vld [tilespmem:s24+$0xCB50]  }
0xd2: {  	v4 =	vld [tilespmem:s24+$0xCB60]  }
0xd3: {  	v2 =	vld [tilespmem:s24+$0xCB70]  }
0xd4: {  	v10 =	vadd.s32 $0x2710, v3;
	v1 =	vld [tilespmem:s24+$0xCB80]  }
0xd5: {  	v11 =	vadd.s32 $0x4E20, v3;
	v22 =	vld.idx.msk [tilespmem:v3+s3+$0x0], $0xffff  }
0xd6: {  	v12 =	vadd.s32 $0x7530, v3;
	v6 =	vld.idx.msk [tilespmem:v7+s3+$0x0], $0xffff  }
0xd7: {  	v13 =	vadd.s32 $0x9C40, v3;
	v5 =	vld.idx.msk [tilespmem:v8+s3+$0x0], $0xffff  }
0xd8: {  	v14 =	vadd.s32 $0x2710, v7;
	v3 =	vld.idx.msk [tilespmem:v9+s3+$0x0], $0xffff  }
0xd9: {  	v25 =	vld.idx.msk [tilespmem:v10+s3+$0x0], $0xffff;
	v10 =	vadd.s32 $0x4E20, v7  }
0xda: {  	v26 =	vld.idx.msk [tilespmem:v11+s3+$0x0], $0xffff;
	v11 =	vadd.s32 $0x7530, v7  }
0xdb: {  	v7 =	vadd.s32 $0x9C40, v7;
	v19 =	vld.idx.msk [tilespmem:v12+s3+$0x0], $0xffff  }
0xdc: {  	v12 =	vadd.s32 $0x2710, v8;
	v20 =	vld.idx.msk [tilespmem:v13+s3+$0x0], $0xffff  }
0xdd: {  	v13 =	vadd.s32 $0x4E20, v8;
	v15 =	vld.idx.msk [tilespmem:v14+s3+$0x0], $0xffff  }
0xde: {  	v16 =	vld.idx.msk [tilespmem:v10+s3+$0x0], $0xffff;
	v10 =	vadd.s32 $0x7530, v8  }
0xdf: {  	v8 =	vadd.s32 $0x9C40, v8;
	v17 =	vld.idx.msk [tilespmem:v11+s3+$0x0], $0xffff  }
0xe0: {  	v18 =	vld.idx.msk [tilespmem:v7+s3+$0x0], $0xffff;
	v7 =	vadd.s32 $0x2710, v9  }
0xe1: {  	v23 =	vadd.s32 $0x4E20, v9;
	v11 =	vld.idx.msk [tilespmem:v12+s3+$0x0], $0xffff  }
0xe2: {  	v24 =	vadd.s32 $0x7530, v9;
	v12 =	vld.idx.msk [tilespmem:v13+s3+$0x0], $0xffff  }
0xe3: {  	v13 =	vld.idx.msk [tilespmem:v10+s3+$0x0], $0xffff;
	v10 =	vadd.s32 $0x9C40, v9  }
0xe4: {  	v14 =	vld.idx.msk [tilespmem:v8+s3+$0x0], $0xffff  }
0xe5: {  	v27 =	vadd.s32 $0x2800, v21;
	v7 =	vld.idx.msk [tilespmem:v7+s3+$0x0], $0xffff  }
0xe6: {  	v28 =	vadd.s32 $0x5000, v21;
	v8 =	vld.idx.msk [tilespmem:v23+s3+$0x0], $0xffff  }
.Ltmp4:
0xe7: {  	v23 =	vadd.s32 $0x7800, v21;
	v9 =	vld.idx.msk [tilespmem:v24+s3+$0x0], $0xffff;
	(pc) =	sbr.rel @p1 .LBB2_7-.Ltmp4, $4  }
0xe8: {  	v24 =	vadd.s32 $0xA000, v21;
	v10 =	vld.idx.msk [tilespmem:v10+s3+$0x0], $0xffff  }
0xe9: {  	[tilespmem:v21+s17+$0x0] =	vst.idx.add.f32.msk $0xffff, v22  }
0xea: {  	v21 =	vadd.s32 $0x2800, v4;
	[tilespmem:v27+s17+$0x0] =	vst.idx.add.f32.msk $0xffff, v25  }
0xeb: {  	s23 =	sadd.s32 $0x100, s23;
	v22 =	vadd.s32 $0x5000, v4;
	[tilespmem:v28+s17+$0x0] =	vst.idx.add.f32.msk $0xffff, v26  }
0xec: {  	_ =	sdelay $0x3  }
0xed: {  	[tilespmem:v23+s17+$0x0] =	vst.idx.add.f32.msk $0xffff, v19;
	v55 =	vadd.s32 $0x7800, v4  }
0xee: {  	v56 =	vadd.s32 $0xA000, v4;
	[tilespmem:v24+s17+$0x0] =	vst.idx.add.f32.msk $0xffff, v20  }
0xef: {  	[tilespmem:v4+s17+$0x0] =	vst.idx.add.f32.msk $0xffff, v6  }
0xf0: {  	v57 =	vadd.s32 $0x2800, v2;
	[tilespmem:v21+s17+$0x0] =	vst.idx.add.f32.msk $0xffff, v15  }
0xf1: {  	v58 =	vadd.s32 $0x5000, v2;
	[tilespmem:v22+s17+$0x0] =	vst.idx.add.f32.msk $0xffff, v16  }
0xf2: {  	v59 =	vadd.s32 $0x7800, v2;
	[tilespmem:v55+s17+$0x0] =	vst.idx.add.f32.msk $0xffff, v17  }
0xf3: {  	v60 =	vadd.s32 $0xA000, v2;
	[tilespmem:v56+s17+$0x0] =	vst.idx.add.f32.msk $0xffff, v18  }
0xf4: {  	[tilespmem:v2+s17+$0x0] =	vst.idx.add.f32.msk $0xffff, v5  }
0xf5: {  	v2 =	vadd.s32 $0x2800, v1;
	[tilespmem:v57+s17+$0x0] =	vst.idx.add.f32.msk $0xffff, v11  }
0xf6: {  	v61 =	vadd.s32 $0x5000, v1;
	[tilespmem:v58+s17+$0x0] =	vst.idx.add.f32.msk $0xffff, v12  }
0xf7: {  	v62 =	vadd.s32 $0x7800, v1;
	[tilespmem:v59+s17+$0x0] =	vst.idx.add.f32.msk $0xffff, v13  }
0xf8: {  	v63 =	vadd.s32 $0xA000, v1;
	[tilespmem:v60+s17+$0x0] =	vst.idx.add.f32.msk $0xffff, v14  }
.Ltmp5:
0xf9: {  	[tilespmem:v1+s17+$0x0] =	vst.idx.add.f32.msk $0xffff, v3;
	(pc) =	sbr.rel @p0 .LBB2_10-.Ltmp5, $4  }
0xfa: {  	[tilespmem:v2+s17+$0x0] =	vst.idx.add.f32.msk $0xffff, v7  }
0xfb: {  	[tilespmem:v61+s17+$0x0] =	vst.idx.add.f32.msk $0xffff, v8  }
0xfc: {  	[tilespmem:v62+s17+$0x0] =	vst.idx.add.f32.msk $0xffff, v9  }
0xfd: {  	[tilespmem:v63+s17+$0x0] =	vst.idx.add.f32.msk $0xffff, v10  }
.Ltmp6:
0xfe: {  	s22 =	sadd.s32 $0x300, s22;
	(pc) =	sbr.rel .LBB2_4-.Ltmp6, $4  }
0xff: {  	s23 =	sadd.s32 s2, s22  }
0x100: {  	[tilespmem:s13], [sflag:$0x2] =	stream.linear.gather [hbm4b:s23+s3], $0x800, $0x38;
	[tilespmem:$0x1AB50] =	vst v63  }
0x101: {  	s21 =	sadd.s32 $0x1, s21;
	s22 =	sadd.s32 s4, s22  }
0x102: {  	[tilespmem:s14], [sflag:$0x4] =	stream.linear.gather [hbm4b:s22+s3], $0x800, $0x38;
	[tilespmem:$0x1AB50] =	vst v63  }
.LBB2_11:
0x103: {  	_ =	sfence.sel $0x180000  }
0x104: {  	[bflag:$0x0] =	sbarrier.arrive $0xFFFF  }
0x105: {  	p0 =	sne.s32 s1, $0x0;
	_ =	strace $0x90000047  }
0x106: {  	s0 =	sadd.s32 @!p0 $0x100000, s0;
	[bflag:$0x2] =	sbarrier.arrive $0xFFFF  }
0x107: {  	[sflag:s0] =	ssyncadd.tile.s32 @!p0 $0x1;
	_ =	shalt  }
.Lfunc_end2:
_tile_overlayer_lowered:
.L_overlay_start_2:
0x108: {  	(tag) =	ssettag $0x2  }
0x109: {  	s0 =	rddreg [dreg:$0x0];
	s2 =	stileid.u32  }
0x10a: {  	s1 =	rddreg [dreg:$0x1];
	p0 =	sne.s32 s2, $0x0  }
0x10b: {  	s3 =	rddreg [dreg:$0x2];
	[bflag:$0x3] =	sbarrier.arrive $0xFFFF;
	s2 =	simm.s32 @!p0 $0x1C05  }
0x10c: {  	[timem:s3], [sflag:s2] =	dma.local @!p0 [hbm:s0], s1  }
0x10d: {  	s0 =	simm.s32 @!p0 $0x5  }
0x10e: {  	_ =	swait.ge @!p0 [sflag:s0], s1  }
0x10f: {  	s1 =	ssub.s32 @!p0 $0x0, s1;
	[sflag:s0] =	ssyncset.done @!p0 $0x0  }
0x110: {  	[sflag:s0] =	ssyncadd.s32 @!p0 s1  }
0x111: {  	[bflag:$0x3] =	sbarrier.arrive $0xFFFF  }
0x112: {  	_ =	shalt  }

</sc_bundles>
